<compile_context>
chip_gen: v7x
topology: tpu7x:2x2x1
jax: 0.10.2.dev20260603
libtpu: 0.0.44.dev20260713+nightly
codegen_flags: <defaults>
</compile_context>

<pallas_src>
import functools

import jax
import jax.numpy as jnp
from jax import lax
from jax.experimental import pallas as pl
from jax.experimental.pallas import tpu as pltpu
from jax.experimental.pallas import tpu_sc as plsc

_NUM_CORES = 2
_NUM_SUBCORES = 16
_NW = _NUM_CORES * _NUM_SUBCORES

_CHUNK = 16
_NBUF = 4


@functools.lru_cache(maxsize=None)
def _make_gather(total: int, hidden: int):
    assert total % (_NW * _NBUF * _CHUNK) == 0
    b_per_w = total // _NW
    n_chunks = b_per_w // _CHUNK
    n_groups = n_chunks // _NBUF

    mesh = plsc.VectorSubcoreMesh(core_axis_name="c", subcore_axis_name="s")

    scratch = [pltpu.VMEM((n_chunks, _CHUNK), jnp.int32)]
    scratch += [pltpu.VMEM((_CHUNK, hidden), jnp.float32)
                for _ in range(_NBUF)]
    scratch += [pltpu.VMEM_SHARED((_NUM_SUBCORES * 2 * _CHUNK, hidden),
                                  jnp.float32)]
    scratch += [pltpu.SemaphoreType.DMA for _ in range(_NBUF + 4)]

    @functools.partial(
        pl.kernel,
        mesh=mesh,
        out_type=jax.ShapeDtypeStruct((total, hidden), jnp.float32),
        scratch_types=scratch,
    )
    def gather_kernel(idx_hbm, table_hbm, out_hbm, idx_v, *rest):
        bufs = rest[:_NBUF]
        shared = rest[_NBUF]
        sg = rest[_NBUF + 1:2 * _NBUF + 1]
        sx = rest[2 * _NBUF + 1:2 * _NBUF + 3]
        so = rest[2 * _NBUF + 3:2 * _NBUF + 5]

        cid = lax.axis_index("c")
        sid = lax.axis_index("s")
        wid = sid * _NUM_CORES + cid
        base = wid * b_per_w

        pltpu.sync_copy(idx_hbm.at[wid], idx_v)

        def slot(s):
            return shared.at[pl.ds((sid * 2 + s) * _CHUNK, _CHUNK)]

        def gather_start(c, buf, sem):
            pltpu.async_copy(table_hbm.at[idx_v.at[c]], buf, sem)

        def gather_wait(c, buf, sem):
            pltpu.make_async_copy(table_hbm.at[idx_v.at[c]], buf, sem).wait()

        def xbar_start(s, buf):
            pltpu.async_copy(buf, slot(s), sx[s])

        def xbar_wait(s, buf):
            pltpu.make_async_copy(buf, slot(s), sx[s]).wait()

        def out_start(c, s):
            pltpu.async_copy(slot(s),
                             out_hbm.at[pl.ds(base + c * _CHUNK, _CHUNK)],
                             so[s])

        def out_wait(s):
            pltpu.make_async_copy(slot(s), out_hbm.at[pl.ds(base, _CHUNK)],
                                  so[s]).wait()

        for b in range(_NBUF):
            gather_start(b, bufs[b], sg[b])

        def group_body(g, carry):
            c0 = g * _NBUF
            for b in range(_NBUF):
                s = b % 2
                gather_wait(c0 + b, bufs[b], sg[b])

                if b < 2:
                    @pl.when(g > 0)
                    def _(s=s):
                        out_wait(s)
                else:
                    out_wait(s)

                xbar_start(s, bufs[b])
                xbar_wait(s, bufs[b])
                out_start(c0 + b, s)

                @pl.when(g + 1 < n_groups)
                def _(b=b, c0=c0):
                    gather_start(c0 + _NBUF + b, bufs[b], sg[b])

            return carry

        lax.fori_loop(0, n_groups, group_body, 0)

        for s in range(2):
            out_wait(s)

    return gather_kernel


def kernel(position_ids, embedding_table):
    batch, seq = position_ids.shape
    _, hidden = embedding_table.shape
    total = batch * seq

    b_per_w = total // _NW
    n_chunks = b_per_w // _CHUNK
    ids = position_ids.astype(jnp.int32).reshape(_NW, n_chunks, _CHUNK)
    table = embedding_table.astype(jnp.float32)

    out = _make_gather(total, hidden)(ids, table)
    return out.reshape(batch, seq, hidden)

# --- scband reference (transcript-rebuilt; emitter-appended) ---
"""Pipeline reference for scband-position-embeddings-65901978190076 (READ-ONLY COPY).

The authoritative reference and input builder live on the scoring server;
editing this copy changes nothing except your own understanding.
"""

import jax, jax.numpy as jnp
import numpy as np

MAX_POS = 8192
HIDDEN = 1024
BATCH = 4
SEQ = 8192

def setup_inputs(seed: int = 0) -> dict:
    key = jax.random.key(seed)
    k_idx, k_tab = jax.random.split(key)
    position_ids = jax.random.randint(k_idx, (BATCH, SEQ), 0, MAX_POS, dtype=jnp.int64 if jax.config.jax_enable_x64 else jnp.int32)
    embedding_table = jax.random.normal(k_tab, (MAX_POS, HIDDEN), dtype=jnp.float32) * 0.02
    return {"position_ids": position_ids, "embedding_table": embedding_table}

def reference(position_ids, embedding_table):
    # nn.Embedding lookup: gather rows of the table by position id.
    position_embeddings = jnp.take(embedding_table, position_ids, axis=0)
    # dropout with training=False is identity (module default eval behavior).
    return position_embeddings

if __name__ == "__main__":
    import jax
    _d = setup_inputs()
    print(jax.jit(kernel)(*tuple(_d.values())))

</pallas_src>

<mosaic_0001>
#map = affine_map<(d0, d1) -> (0, 0, 0)>
#map1 = affine_map<(d0, d1) -> (0, 0)>
module attributes {stable_mosaic.version = 14 : i64} {
  func.func @gather_kernel(%arg0: i32, %arg1: i32, %arg2: memref<32x64x16xi32, #tpu.memory_space<hbm>>, %arg3: memref<8192x1024xf32, #tpu.memory_space<hbm>>, %arg4: memref<32768x1024xf32, #tpu.memory_space<hbm>>, %arg5: memref<64x16xi32, #tpu.memory_space<vmem>>, %arg6: memref<16x1024xf32, #tpu.memory_space<vmem>>, %arg7: memref<16x1024xf32, #tpu.memory_space<vmem>>, %arg8: memref<16x1024xf32, #tpu.memory_space<vmem>>, %arg9: memref<16x1024xf32, #tpu.memory_space<vmem>>, %arg10: memref<512x1024xf32, #tpu.memory_space<vmem_shared>>, %arg11: memref<!tpu.dma_semaphore, #tpu.memory_space<semaphore_mem>>, %arg12: memref<!tpu.dma_semaphore, #tpu.memory_space<semaphore_mem>>, %arg13: memref<!tpu.dma_semaphore, #tpu.memory_space<semaphore_mem>>, %arg14: memref<!tpu.dma_semaphore, #tpu.memory_space<semaphore_mem>>, %arg15: memref<!tpu.dma_semaphore, #tpu.memory_space<semaphore_mem>>, %arg16: memref<!tpu.dma_semaphore, #tpu.memory_space<semaphore_mem>>, %arg17: memref<!tpu.dma_semaphore, #tpu.memory_space<semaphore_mem>>, %arg18: memref<!tpu.dma_semaphore, #tpu.memory_space<semaphore_mem>>) attributes {dimension_semantics = [#tpu.dimension_semantics<core_parallel>, #tpu.dimension_semantics<subcore_parallel>], iteration_bounds = array<i64: 2, 16>, scalar_prefetch = 0 : i64, scratch_operands = 14 : i64, tpu.core_type = #tpu.core_type<sc_vector_subcore>, window_params = [{transform_indices = #map}, {transform_indices = #map1}, {transform_indices = #map1}]} {
    %mul3A = arith.constant 2 : i32
    %mul3A_0 = arith.muli %arg1, %mul3A : i32
    %add3A = arith.addi %mul3A_0, %arg0 : i32
    %mul3A_1 = arith.constant 1024 : i32
    %mul3A_2 = arith.muli %add3A, %mul3A_1 : i32
    "tpu.region"() ({
      %run_scoped3A = tpu.sem_alloc : memref<!tpu.dma_semaphore, #tpu.memory_space<semaphore_mem>>
      %dma_start3A_54 = arith.constant 0 : i32
      %dma_start3A_55 = arith.constant 0 : i32
      %dma_start3A_56 = tpu.memref_slice %arg2[%add3A, %dma_start3A_54, %dma_start3A_55] : memref<32x64x16xi32, #tpu.memory_space<hbm>> -> memref<1x64x16xi32, #tpu.memory_space<hbm>>
      %dma_start3A_57 = tpu.memref_squeeze %dma_start3A_56 : memref<1x64x16xi32, #tpu.memory_space<hbm>> -> memref<64x16xi32, #tpu.memory_space<hbm>>
      %dma_start3A_58 = arith.constant 0 : i32
      %dma_start3A_59 = arith.constant 0 : i32
      %dma_start3A_60 = tpu.memref_slice %arg2[%add3A, %dma_start3A_58, %dma_start3A_59] : memref<32x64x16xi32, #tpu.memory_space<hbm>> -> memref<1x64x16xi32, #tpu.memory_space<hbm>>
      %dma_start3A_61 = tpu.memref_squeeze %dma_start3A_60 : memref<1x64x16xi32, #tpu.memory_space<hbm>> -> memref<64x16xi32, #tpu.memory_space<hbm>>
      tpu.enqueue_dma source(%dma_start3A_61 : memref<64x16xi32, #tpu.memory_space<hbm>>) target(%arg5 : memref<64x16xi32, #tpu.memory_space<vmem>>) target_semaphore(%run_scoped3A : memref<!tpu.dma_semaphore, #tpu.memory_space<semaphore_mem>>)
      %dma_wait3A_62 = arith.constant 0 : i32
      %dma_wait3A_63 = arith.constant 0 : i32
      %dma_wait3A_64 = tpu.memref_slice %arg2[%add3A, %dma_wait3A_62, %dma_wait3A_63] : memref<32x64x16xi32, #tpu.memory_space<hbm>> -> memref<1x64x16xi32, #tpu.memory_space<hbm>>
      %dma_wait3A_65 = tpu.memref_squeeze %dma_wait3A_64 : memref<1x64x16xi32, #tpu.memory_space<hbm>> -> memref<64x16xi32, #tpu.memory_space<hbm>>
      %dma_wait3A_66 = arith.constant 0 : i32
      %dma_wait3A_67 = arith.constant 0 : i32
      %dma_wait3A_68 = tpu.memref_slice %arg2[%add3A, %dma_wait3A_66, %dma_wait3A_67] : memref<32x64x16xi32, #tpu.memory_space<hbm>> -> memref<1x64x16xi32, #tpu.memory_space<hbm>>
      %dma_wait3A_69 = tpu.memref_squeeze %dma_wait3A_68 : memref<1x64x16xi32, #tpu.memory_space<hbm>> -> memref<64x16xi32, #tpu.memory_space<hbm>>
      tpu.wait_dma2 semaphore(%run_scoped3A : memref<!tpu.dma_semaphore, #tpu.memory_space<semaphore_mem>>) src(%dma_wait3A_69 : memref<64x16xi32, #tpu.memory_space<hbm>>) dst(%arg5 : memref<64x16xi32, #tpu.memory_space<vmem>>)
      tpu.yield
    }) : () -> ()
    %dma_start3A = arith.constant 0 : i32
    %dma_start3A_3 = arith.constant 0 : i32
    %dma_start3A_4 = tpu.memref_slice %arg5[%dma_start3A, %dma_start3A_3] : memref<64x16xi32, #tpu.memory_space<vmem>> -> memref<1x16xi32, #tpu.memory_space<vmem>>
    %dma_start3A_5 = tpu.memref_squeeze %dma_start3A_4 : memref<1x16xi32, #tpu.memory_space<vmem>> -> memref<16xi32, #tpu.memory_space<vmem>>
    %dma_start3A_6 = arith.constant 0 : i32
    %dma_start3A_7 = arith.constant 0 : i32
    %dma_start3A_8 = tpu.memref_slice %arg3[%dma_start3A_6, %dma_start3A_7] : memref<8192x1024xf32, #tpu.memory_space<hbm>> -> memref<8192x1024xf32, #tpu.memory_space<hbm>>
    tpu.enqueue_indirect_dma source(%dma_start3A_8 : memref<8192x1024xf32, #tpu.memory_space<hbm>>) target(%arg6 : memref<16x1024xf32, #tpu.memory_space<vmem>>) offsets(%dma_start3A_5 : memref<16xi32, #tpu.memory_space<vmem>>) semaphore(%arg11 : memref<!tpu.dma_semaphore, #tpu.memory_space<semaphore_mem>>)
    %dma_start3A_9 = arith.constant 1 : i32
    %dma_start3A_10 = arith.constant 0 : i32
    %dma_start3A_11 = tpu.memref_slice %arg5[%dma_start3A_9, %dma_start3A_10] : memref<64x16xi32, #tpu.memory_space<vmem>> -> memref<1x16xi32, #tpu.memory_space<vmem>>
    %dma_start3A_12 = tpu.memref_squeeze %dma_start3A_11 : memref<1x16xi32, #tpu.memory_space<vmem>> -> memref<16xi32, #tpu.memory_space<vmem>>
    %dma_start3A_13 = arith.constant 0 : i32
    %dma_start3A_14 = arith.constant 0 : i32
    %dma_start3A_15 = tpu.memref_slice %arg3[%dma_start3A_13, %dma_start3A_14] : memref<8192x1024xf32, #tpu.memory_space<hbm>> -> memref<8192x1024xf32, #tpu.memory_space<hbm>>
    tpu.enqueue_indirect_dma source(%dma_start3A_15 : memref<8192x1024xf32, #tpu.memory_space<hbm>>) target(%arg7 : memref<16x1024xf32, #tpu.memory_space<vmem>>) offsets(%dma_start3A_12 : memref<16xi32, #tpu.memory_space<vmem>>) semaphore(%arg12 : memref<!tpu.dma_semaphore, #tpu.memory_space<semaphore_mem>>)
    %dma_start3A_16 = arith.constant 2 : i32
    %dma_start3A_17 = arith.constant 0 : i32
    %dma_start3A_18 = tpu.memref_slice %arg5[%dma_start3A_16, %dma_start3A_17] : memref<64x16xi32, #tpu.memory_space<vmem>> -> memref<1x16xi32, #tpu.memory_space<vmem>>
    %dma_start3A_19 = tpu.memref_squeeze %dma_start3A_18 : memref<1x16xi32, #tpu.memory_space<vmem>> -> memref<16xi32, #tpu.memory_space<vmem>>
    %dma_start3A_20 = arith.constant 0 : i32
    %dma_start3A_21 = arith.constant 0 : i32
    %dma_start3A_22 = tpu.memref_slice %arg3[%dma_start3A_20, %dma_start3A_21] : memref<8192x1024xf32, #tpu.memory_space<hbm>> -> memref<8192x1024xf32, #tpu.memory_space<hbm>>
    tpu.enqueue_indirect_dma source(%dma_start3A_22 : memref<8192x1024xf32, #tpu.memory_space<hbm>>) target(%arg8 : memref<16x1024xf32, #tpu.memory_space<vmem>>) offsets(%dma_start3A_19 : memref<16xi32, #tpu.memory_space<vmem>>) semaphore(%arg13 : memref<!tpu.dma_semaphore, #tpu.memory_space<semaphore_mem>>)
    %dma_start3A_23 = arith.constant 3 : i32
    %dma_start3A_24 = arith.constant 0 : i32
    %dma_start3A_25 = tpu.memref_slice %arg5[%dma_start3A_23, %dma_start3A_24] : memref<64x16xi32, #tpu.memory_space<vmem>> -> memref<1x16xi32, #tpu.memory_space<vmem>>
    %dma_start3A_26 = tpu.memref_squeeze %dma_start3A_25 : memref<1x16xi32, #tpu.memory_space<vmem>> -> memref<16xi32, #tpu.memory_space<vmem>>
    %dma_start3A_27 = arith.constant 0 : i32
    %dma_start3A_28 = arith.constant 0 : i32
    %dma_start3A_29 = tpu.memref_slice %arg3[%dma_start3A_27, %dma_start3A_28] : memref<8192x1024xf32, #tpu.memory_space<hbm>> -> memref<8192x1024xf32, #tpu.memory_space<hbm>>
    tpu.enqueue_indirect_dma source(%dma_start3A_29 : memref<8192x1024xf32, #tpu.memory_space<hbm>>) target(%arg9 : memref<16x1024xf32, #tpu.memory_space<vmem>>) offsets(%dma_start3A_26 : memref<16xi32, #tpu.memory_space<vmem>>) semaphore(%arg14 : memref<!tpu.dma_semaphore, #tpu.memory_space<semaphore_mem>>)
    %scan3A = arith.constant 0 : i32
    %scan3A_30 = arith.constant 0 : i32
    %scan3A_31 = arith.constant 16 : i32
    %scan3A_32 = arith.addi %scan3A_30, %scan3A_31 : i32
    %scan3A_33 = arith.constant 1 : i32
    scf.for %scan3A_54 = %scan3A_30 to %scan3A_32 step %scan3A_33  : i32 {
      %mul3A_55 = arith.constant 4 : i32
      %mul3A_56 = arith.muli %scan3A_54, %mul3A_55 : i32
      %add3A_57 = arith.constant 0 : i32
      %add3A_58 = arith.addi %mul3A_56, %add3A_57 : i32
      %dma_wait3A_59 = arith.constant 0 : i32
      %dma_wait3A_60 = tpu.memref_slice %arg5[%add3A_58, %dma_wait3A_59] : memref<64x16xi32, #tpu.memory_space<vmem>> -> memref<1x16xi32, #tpu.memory_space<vmem>>
      %dma_wait3A_61 = tpu.memref_squeeze %dma_wait3A_60 : memref<1x16xi32, #tpu.memory_space<vmem>> -> memref<16xi32, #tpu.memory_space<vmem>>
      %dma_wait3A_62 = arith.constant 0 : i32
      %dma_wait3A_63 = arith.constant 0 : i32
      %dma_wait3A_64 = tpu.memref_slice %arg3[%dma_wait3A_62, %dma_wait3A_63] : memref<8192x1024xf32, #tpu.memory_space<hbm>> -> memref<8192x1024xf32, #tpu.memory_space<hbm>>
      tpu.wait_indirect_dma semaphore(%arg11 : memref<!tpu.dma_semaphore, #tpu.memory_space<semaphore_mem>>) src(%dma_wait3A_64 : memref<8192x1024xf32, #tpu.memory_space<hbm>>) dst(%arg6 : memref<16x1024xf32, #tpu.memory_space<vmem>>)
      %gt3A = arith.constant 0 : i32
      %gt3A_65 = arith.cmpi sgt, %scan3A_54, %gt3A : i32
      %convert_element_type3A = arith.extui %gt3A_65 : i1 to i32
      %cond3A = arith.constant 0 : i32
      %cond3A_66 = arith.cmpi ne, %convert_element_type3A, %cond3A : i32
      scf.if %cond3A_66 {
        %mul3A_283 = arith.constant 2 : i32
        %mul3A_284 = arith.muli %arg1, %mul3A_283 : i32
        %add3A_285 = arith.constant 0 : i32
        %add3A_286 = arith.addi %mul3A_284, %add3A_285 : i32
        %mul3A_287 = arith.constant 16 : i32
        %mul3A_288 = arith.muli %add3A_286, %mul3A_287 : i32
        %dma_wait3A_289 = arith.constant 0 : i32
        %dma_wait3A_290 = tpu.memref_slice %arg4[%mul3A_2, %dma_wait3A_289] : memref<32768x1024xf32, #tpu.memory_space<hbm>> -> memref<16x1024xf32, #tpu.memory_space<hbm>>
        %dma_wait3A_291 = arith.constant 0 : i32
        %dma_wait3A_292 = tpu.memref_slice %arg10[%mul3A_288, %dma_wait3A_291] : memref<512x1024xf32, #tpu.memory_space<vmem_shared>> -> memref<16x1024xf32, #tpu.memory_space<vmem_shared>>
        tpu.wait_dma2 semaphore(%arg17 : memref<!tpu.dma_semaphore, #tpu.memory_space<semaphore_mem>>) src(%dma_wait3A_292 : memref<16x1024xf32, #tpu.memory_space<vmem_shared>>) dst(%dma_wait3A_290 : memref<16x1024xf32, #tpu.memory_space<hbm>>)
      } else {
      }
      %mul3A_67 = arith.constant 2 : i32
      %mul3A_68 = arith.muli %arg1, %mul3A_67 : i32
      %add3A_69 = arith.constant 0 : i32
      %add3A_70 = arith.addi %mul3A_68, %add3A_69 : i32
      %mul3A_71 = arith.constant 16 : i32
      %mul3A_72 = arith.muli %add3A_70, %mul3A_71 : i32
      %dma_start3A_73 = arith.constant 0 : i32
      %dma_start3A_74 = tpu.memref_slice %arg10[%mul3A_72, %dma_start3A_73] : memref<512x1024xf32, #tpu.memory_space<vmem_shared>> -> memref<16x1024xf32, #tpu.memory_space<vmem_shared>>
      %dma_start3A_75 = arith.constant 0 : i32
      %dma_start3A_76 = tpu.memref_slice %arg10[%mul3A_72, %dma_start3A_75] : memref<512x1024xf32, #tpu.memory_space<vmem_shared>> -> memref<16x1024xf32, #tpu.memory_space<vmem_shared>>
      tpu.enqueue_dma source(%arg6 : memref<16x1024xf32, #tpu.memory_space<vmem>>) target(%dma_start3A_76 : memref<16x1024xf32, #tpu.memory_space<vmem_shared>>) target_semaphore(%arg15 : memref<!tpu.dma_semaphore, #tpu.memory_space<semaphore_mem>>)
      %mul3A_77 = arith.constant 2 : i32
      %mul3A_78 = arith.muli %arg1, %mul3A_77 : i32
      %add3A_79 = arith.constant 0 : i32
      %add3A_80 = arith.addi %mul3A_78, %add3A_79 : i32
      %mul3A_81 = arith.constant 16 : i32
      %mul3A_82 = arith.muli %add3A_80, %mul3A_81 : i32
      %dma_wait3A_83 = arith.constant 0 : i32
      %dma_wait3A_84 = tpu.memref_slice %arg10[%mul3A_82, %dma_wait3A_83] : memref<512x1024xf32, #tpu.memory_space<vmem_shared>> -> memref<16x1024xf32, #tpu.memory_space<vmem_shared>>
      %dma_wait3A_85 = arith.constant 0 : i32
      %dma_wait3A_86 = tpu.memref_slice %arg10[%mul3A_82, %dma_wait3A_85] : memref<512x1024xf32, #tpu.memory_space<vmem_shared>> -> memref<16x1024xf32, #tpu.memory_space<vmem_shared>>
      tpu.wait_dma2 semaphore(%arg15 : memref<!tpu.dma_semaphore, #tpu.memory_space<semaphore_mem>>) src(%arg6 : memref<16x1024xf32, #tpu.memory_space<vmem>>) dst(%dma_wait3A_86 : memref<16x1024xf32, #tpu.memory_space<vmem_shared>>)
      %add3A_87 = arith.constant 0 : i32
      %add3A_88 = arith.addi %mul3A_56, %add3A_87 : i32
      %mul3A_89 = arith.constant 2 : i32
      %mul3A_90 = arith.muli %arg1, %mul3A_89 : i32
      %add3A_91 = arith.constant 0 : i32
      %add3A_92 = arith.addi %mul3A_90, %add3A_91 : i32
      %mul3A_93 = arith.constant 16 : i32
      %mul3A_94 = arith.muli %add3A_92, %mul3A_93 : i32
      %mul3A_95 = arith.constant 16 : i32
      %mul3A_96 = arith.muli %add3A_88, %mul3A_95 : i32
      %add3A_97 = arith.addi %mul3A_2, %mul3A_96 : i32
      %dma_start3A_98 = arith.constant 0 : i32
      %dma_start3A_99 = tpu.memref_slice %arg4[%add3A_97, %dma_start3A_98] : memref<32768x1024xf32, #tpu.memory_space<hbm>> -> memref<16x1024xf32, #tpu.memory_space<hbm>>
      %dma_start3A_100 = arith.constant 0 : i32
      %dma_start3A_101 = tpu.memref_slice %arg10[%mul3A_94, %dma_start3A_100] : memref<512x1024xf32, #tpu.memory_space<vmem_shared>> -> memref<16x1024xf32, #tpu.memory_space<vmem_shared>>
      tpu.enqueue_dma source(%dma_start3A_101 : memref<16x1024xf32, #tpu.memory_space<vmem_shared>>) target(%dma_start3A_99 : memref<16x1024xf32, #tpu.memory_space<hbm>>) target_semaphore(%arg17 : memref<!tpu.dma_semaphore, #tpu.memory_space<semaphore_mem>>)
      %add3A_102 = arith.constant 1 : i32
      %add3A_103 = arith.addi %scan3A_54, %add3A_102 : i32
      %lt3A = arith.constant 16 : i32
      %lt3A_104 = arith.cmpi slt, %add3A_103, %lt3A : i32
      %convert_element_type3A_105 = arith.extui %lt3A_104 : i1 to i32
      %cond3A_106 = arith.constant 0 : i32
      %cond3A_107 = arith.cmpi ne, %convert_element_type3A_105, %cond3A_106 : i32
      scf.if %cond3A_107 {
        %add3A_283 = arith.constant 4 : i32
        %add3A_284 = arith.addi %mul3A_56, %add3A_283 : i32
        %add3A_285 = arith.constant 0 : i32
        %add3A_286 = arith.addi %add3A_284, %add3A_285 : i32
        %dma_start3A_287 = arith.constant 0 : i32
        %dma_start3A_288 = tpu.memref_slice %arg5[%add3A_286, %dma_start3A_287] : memref<64x16xi32, #tpu.memory_space<vmem>> -> memref<1x16xi32, #tpu.memory_space<vmem>>
        %dma_start3A_289 = tpu.memref_squeeze %dma_start3A_288 : memref<1x16xi32, #tpu.memory_space<vmem>> -> memref<16xi32, #tpu.memory_space<vmem>>
        %dma_start3A_290 = arith.constant 0 : i32
        %dma_start3A_291 = arith.constant 0 : i32
        %dma_start3A_292 = tpu.memref_slice %arg3[%dma_start3A_290, %dma_start3A_291] : memref<8192x1024xf32, #tpu.memory_space<hbm>> -> memref<8192x1024xf32, #tpu.memory_space<hbm>>
        tpu.enqueue_indirect_dma source(%dma_start3A_292 : memref<8192x1024xf32, #tpu.memory_space<hbm>>) target(%arg6 : memref<16x1024xf32, #tpu.memory_space<vmem>>) offsets(%dma_start3A_289 : memref<16xi32, #tpu.memory_space<vmem>>) semaphore(%arg11 : memref<!tpu.dma_semaphore, #tpu.memory_space<semaphore_mem>>)
      } else {
      }
      %add3A_108 = arith.constant 1 : i32
      %add3A_109 = arith.addi %mul3A_56, %add3A_108 : i32
      %dma_wait3A_110 = arith.constant 0 : i32
      %dma_wait3A_111 = tpu.memref_slice %arg5[%add3A_109, %dma_wait3A_110] : memref<64x16xi32, #tpu.memory_space<vmem>> -> memref<1x16xi32, #tpu.memory_space<vmem>>
      %dma_wait3A_112 = tpu.memref_squeeze %dma_wait3A_111 : memref<1x16xi32, #tpu.memory_space<vmem>> -> memref<16xi32, #tpu.memory_space<vmem>>
      %dma_wait3A_113 = arith.constant 0 : i32
      %dma_wait3A_114 = arith.constant 0 : i32
      %dma_wait3A_115 = tpu.memref_slice %arg3[%dma_wait3A_113, %dma_wait3A_114] : memref<8192x1024xf32, #tpu.memory_space<hbm>> -> memref<8192x1024xf32, #tpu.memory_space<hbm>>
      tpu.wait_indirect_dma semaphore(%arg12 : memref<!tpu.dma_semaphore, #tpu.memory_space<semaphore_mem>>) src(%dma_wait3A_115 : memref<8192x1024xf32, #tpu.memory_space<hbm>>) dst(%arg7 : memref<16x1024xf32, #tpu.memory_space<vmem>>)
      %gt3A_116 = arith.constant 0 : i32
      %gt3A_117 = arith.cmpi sgt, %scan3A_54, %gt3A_116 : i32
      %convert_element_type3A_118 = arith.extui %gt3A_117 : i1 to i32
      %cond3A_119 = arith.constant 0 : i32
      %cond3A_120 = arith.cmpi ne, %convert_element_type3A_118, %cond3A_119 : i32
      scf.if %cond3A_120 {
        %mul3A_283 = arith.constant 2 : i32
        %mul3A_284 = arith.muli %arg1, %mul3A_283 : i32
        %add3A_285 = arith.constant 1 : i32
        %add3A_286 = arith.addi %mul3A_284, %add3A_285 : i32
        %mul3A_287 = arith.constant 16 : i32
        %mul3A_288 = arith.muli %add3A_286, %mul3A_287 : i32
        %dma_wait3A_289 = arith.constant 0 : i32
        %dma_wait3A_290 = tpu.memref_slice %arg4[%mul3A_2, %dma_wait3A_289] : memref<32768x1024xf32, #tpu.memory_space<hbm>> -> memref<16x1024xf32, #tpu.memory_space<hbm>>
        %dma_wait3A_291 = arith.constant 0 : i32
        %dma_wait3A_292 = tpu.memref_slice %arg10[%mul3A_288, %dma_wait3A_291] : memref<512x1024xf32, #tpu.memory_space<vmem_shared>> -> memref<16x1024xf32, #tpu.memory_space<vmem_shared>>
        tpu.wait_dma2 semaphore(%arg18 : memref<!tpu.dma_semaphore, #tpu.memory_space<semaphore_mem>>) src(%dma_wait3A_292 : memref<16x1024xf32, #tpu.memory_space<vmem_shared>>) dst(%dma_wait3A_290 : memref<16x1024xf32, #tpu.memory_space<hbm>>)
      } else {
      }
      %mul3A_121 = arith.constant 2 : i32
      %mul3A_122 = arith.muli %arg1, %mul3A_121 : i32
      %add3A_123 = arith.constant 1 : i32
      %add3A_124 = arith.addi %mul3A_122, %add3A_123 : i32
      %mul3A_125 = arith.constant 16 : i32
      %mul3A_126 = arith.muli %add3A_124, %mul3A_125 : i32
      %dma_start3A_127 = arith.constant 0 : i32
      %dma_start3A_128 = tpu.memref_slice %arg10[%mul3A_126, %dma_start3A_127] : memref<512x1024xf32, #tpu.memory_space<vmem_shared>> -> memref<16x1024xf32, #tpu.memory_space<vmem_shared>>
      %dma_start3A_129 = arith.constant 0 : i32
      %dma_start3A_130 = tpu.memref_slice %arg10[%mul3A_126, %dma_start3A_129] : memref<512x1024xf32, #tpu.memory_space<vmem_shared>> -> memref<16x1024xf32, #tpu.memory_space<vmem_shared>>
      tpu.enqueue_dma source(%arg7 : memref<16x1024xf32, #tpu.memory_space<vmem>>) target(%dma_start3A_130 : memref<16x1024xf32, #tpu.memory_space<vmem_shared>>) target_semaphore(%arg16 : memref<!tpu.dma_semaphore, #tpu.memory_space<semaphore_mem>>)
      %mul3A_131 = arith.constant 2 : i32
      %mul3A_132 = arith.muli %arg1, %mul3A_131 : i32
      %add3A_133 = arith.constant 1 : i32
      %add3A_134 = arith.addi %mul3A_132, %add3A_133 : i32
      %mul3A_135 = arith.constant 16 : i32
      %mul3A_136 = arith.muli %add3A_134, %mul3A_135 : i32
      %dma_wait3A_137 = arith.constant 0 : i32
      %dma_wait3A_138 = tpu.memref_slice %arg10[%mul3A_136, %dma_wait3A_137] : memref<512x1024xf32, #tpu.memory_space<vmem_shared>> -> memref<16x1024xf32, #tpu.memory_space<vmem_shared>>
      %dma_wait3A_139 = arith.constant 0 : i32
      %dma_wait3A_140 = tpu.memref_slice %arg10[%mul3A_136, %dma_wait3A_139] : memref<512x1024xf32, #tpu.memory_space<vmem_shared>> -> memref<16x1024xf32, #tpu.memory_space<vmem_shared>>
      tpu.wait_dma2 semaphore(%arg16 : memref<!tpu.dma_semaphore, #tpu.memory_space<semaphore_mem>>) src(%arg7 : memref<16x1024xf32, #tpu.memory_space<vmem>>) dst(%dma_wait3A_140 : memref<16x1024xf32, #tpu.memory_space<vmem_shared>>)
      %add3A_141 = arith.constant 1 : i32
      %add3A_142 = arith.addi %mul3A_56, %add3A_141 : i32
      %mul3A_143 = arith.constant 2 : i32
      %mul3A_144 = arith.muli %arg1, %mul3A_143 : i32
      %add3A_145 = arith.constant 1 : i32
      %add3A_146 = arith.addi %mul3A_144, %add3A_145 : i32
      %mul3A_147 = arith.constant 16 : i32
      %mul3A_148 = arith.muli %add3A_146, %mul3A_147 : i32
      %mul3A_149 = arith.constant 16 : i32
      %mul3A_150 = arith.muli %add3A_142, %mul3A_149 : i32
      %add3A_151 = arith.addi %mul3A_2, %mul3A_150 : i32
      %dma_start3A_152 = arith.constant 0 : i32
      %dma_start3A_153 = tpu.memref_slice %arg4[%add3A_151, %dma_start3A_152] : memref<32768x1024xf32, #tpu.memory_space<hbm>> -> memref<16x1024xf32, #tpu.memory_space<hbm>>
      %dma_start3A_154 = arith.constant 0 : i32
      %dma_start3A_155 = tpu.memref_slice %arg10[%mul3A_148, %dma_start3A_154] : memref<512x1024xf32, #tpu.memory_space<vmem_shared>> -> memref<16x1024xf32, #tpu.memory_space<vmem_shared>>
      tpu.enqueue_dma source(%dma_start3A_155 : memref<16x1024xf32, #tpu.memory_space<vmem_shared>>) target(%dma_start3A_153 : memref<16x1024xf32, #tpu.memory_space<hbm>>) target_semaphore(%arg18 : memref<!tpu.dma_semaphore, #tpu.memory_space<semaphore_mem>>)
      %add3A_156 = arith.constant 1 : i32
      %add3A_157 = arith.addi %scan3A_54, %add3A_156 : i32
      %lt3A_158 = arith.constant 16 : i32
      %lt3A_159 = arith.cmpi slt, %add3A_157, %lt3A_158 : i32
      %convert_element_type3A_160 = arith.extui %lt3A_159 : i1 to i32
      %cond3A_161 = arith.constant 0 : i32
      %cond3A_162 = arith.cmpi ne, %convert_element_type3A_160, %cond3A_161 : i32
      scf.if %cond3A_162 {
        %add3A_283 = arith.constant 4 : i32
        %add3A_284 = arith.addi %mul3A_56, %add3A_283 : i32
        %add3A_285 = arith.constant 1 : i32
        %add3A_286 = arith.addi %add3A_284, %add3A_285 : i32
        %dma_start3A_287 = arith.constant 0 : i32
        %dma_start3A_288 = tpu.memref_slice %arg5[%add3A_286, %dma_start3A_287] : memref<64x16xi32, #tpu.memory_space<vmem>> -> memref<1x16xi32, #tpu.memory_space<vmem>>
        %dma_start3A_289 = tpu.memref_squeeze %dma_start3A_288 : memref<1x16xi32, #tpu.memory_space<vmem>> -> memref<16xi32, #tpu.memory_space<vmem>>
        %dma_start3A_290 = arith.constant 0 : i32
        %dma_start3A_291 = arith.constant 0 : i32
        %dma_start3A_292 = tpu.memref_slice %arg3[%dma_start3A_290, %dma_start3A_291] : memref<8192x1024xf32, #tpu.memory_space<hbm>> -> memref<8192x1024xf32, #tpu.memory_space<hbm>>
        tpu.enqueue_indirect_dma source(%dma_start3A_292 : memref<8192x1024xf32, #tpu.memory_space<hbm>>) target(%arg7 : memref<16x1024xf32, #tpu.memory_space<vmem>>) offsets(%dma_start3A_289 : memref<16xi32, #tpu.memory_space<vmem>>) semaphore(%arg12 : memref<!tpu.dma_semaphore, #tpu.memory_space<semaphore_mem>>)
      } else {
      }
      %add3A_163 = arith.constant 2 : i32
      %add3A_164 = arith.addi %mul3A_56, %add3A_163 : i32
      %dma_wait3A_165 = arith.constant 0 : i32
      %dma_wait3A_166 = tpu.memref_slice %arg5[%add3A_164, %dma_wait3A_165] : memref<64x16xi32, #tpu.memory_space<vmem>> -> memref<1x16xi32, #tpu.memory_space<vmem>>
      %dma_wait3A_167 = tpu.memref_squeeze %dma_wait3A_166 : memref<1x16xi32, #tpu.memory_space<vmem>> -> memref<16xi32, #tpu.memory_space<vmem>>
      %dma_wait3A_168 = arith.constant 0 : i32
      %dma_wait3A_169 = arith.constant 0 : i32
      %dma_wait3A_170 = tpu.memref_slice %arg3[%dma_wait3A_168, %dma_wait3A_169] : memref<8192x1024xf32, #tpu.memory_space<hbm>> -> memref<8192x1024xf32, #tpu.memory_space<hbm>>
      tpu.wait_indirect_dma semaphore(%arg13 : memref<!tpu.dma_semaphore, #tpu.memory_space<semaphore_mem>>) src(%dma_wait3A_170 : memref<8192x1024xf32, #tpu.memory_space<hbm>>) dst(%arg8 : memref<16x1024xf32, #tpu.memory_space<vmem>>)
      %mul3A_171 = arith.constant 2 : i32
      %mul3A_172 = arith.muli %arg1, %mul3A_171 : i32
      %add3A_173 = arith.constant 0 : i32
      %add3A_174 = arith.addi %mul3A_172, %add3A_173 : i32
      %mul3A_175 = arith.constant 16 : i32
      %mul3A_176 = arith.muli %add3A_174, %mul3A_175 : i32
      %dma_wait3A_177 = arith.constant 0 : i32
      %dma_wait3A_178 = tpu.memref_slice %arg4[%mul3A_2, %dma_wait3A_177] : memref<32768x1024xf32, #tpu.memory_space<hbm>> -> memref<16x1024xf32, #tpu.memory_space<hbm>>
      %dma_wait3A_179 = arith.constant 0 : i32
      %dma_wait3A_180 = tpu.memref_slice %arg10[%mul3A_176, %dma_wait3A_179] : memref<512x1024xf32, #tpu.memory_space<vmem_shared>> -> memref<16x1024xf32, #tpu.memory_space<vmem_shared>>
      tpu.wait_dma2 semaphore(%arg17 : memref<!tpu.dma_semaphore, #tpu.memory_space<semaphore_mem>>) src(%dma_wait3A_180 : memref<16x1024xf32, #tpu.memory_space<vmem_shared>>) dst(%dma_wait3A_178 : memref<16x1024xf32, #tpu.memory_space<hbm>>)
      %mul3A_181 = arith.constant 2 : i32
      %mul3A_182 = arith.muli %arg1, %mul3A_181 : i32
      %add3A_183 = arith.constant 0 : i32
      %add3A_184 = arith.addi %mul3A_182, %add3A_183 : i32
      %mul3A_185 = arith.constant 16 : i32
      %mul3A_186 = arith.muli %add3A_184, %mul3A_185 : i32
      %dma_start3A_187 = arith.constant 0 : i32
      %dma_start3A_188 = tpu.memref_slice %arg10[%mul3A_186, %dma_start3A_187] : memref<512x1024xf32, #tpu.memory_space<vmem_shared>> -> memref<16x1024xf32, #tpu.memory_space<vmem_shared>>
      %dma_start3A_189 = arith.constant 0 : i32
      %dma_start3A_190 = tpu.memref_slice %arg10[%mul3A_186, %dma_start3A_189] : memref<512x1024xf32, #tpu.memory_space<vmem_shared>> -> memref<16x1024xf32, #tpu.memory_space<vmem_shared>>
      tpu.enqueue_dma source(%arg8 : memref<16x1024xf32, #tpu.memory_space<vmem>>) target(%dma_start3A_190 : memref<16x1024xf32, #tpu.memory_space<vmem_shared>>) target_semaphore(%arg15 : memref<!tpu.dma_semaphore, #tpu.memory_space<semaphore_mem>>)
      %mul3A_191 = arith.constant 2 : i32
      %mul3A_192 = arith.muli %arg1, %mul3A_191 : i32
      %add3A_193 = arith.constant 0 : i32
      %add3A_194 = arith.addi %mul3A_192, %add3A_193 : i32
      %mul3A_195 = arith.constant 16 : i32
      %mul3A_196 = arith.muli %add3A_194, %mul3A_195 : i32
      %dma_wait3A_197 = arith.constant 0 : i32
      %dma_wait3A_198 = tpu.memref_slice %arg10[%mul3A_196, %dma_wait3A_197] : memref<512x1024xf32, #tpu.memory_space<vmem_shared>> -> memref<16x1024xf32, #tpu.memory_space<vmem_shared>>
      %dma_wait3A_199 = arith.constant 0 : i32
      %dma_wait3A_200 = tpu.memref_slice %arg10[%mul3A_196, %dma_wait3A_199] : memref<512x1024xf32, #tpu.memory_space<vmem_shared>> -> memref<16x1024xf32, #tpu.memory_space<vmem_shared>>
      tpu.wait_dma2 semaphore(%arg15 : memref<!tpu.dma_semaphore, #tpu.memory_space<semaphore_mem>>) src(%arg8 : memref<16x1024xf32, #tpu.memory_space<vmem>>) dst(%dma_wait3A_200 : memref<16x1024xf32, #tpu.memory_space<vmem_shared>>)
      %add3A_201 = arith.constant 2 : i32
      %add3A_202 = arith.addi %mul3A_56, %add3A_201 : i32
      %mul3A_203 = arith.constant 2 : i32
      %mul3A_204 = arith.muli %arg1, %mul3A_203 : i32
      %add3A_205 = arith.constant 0 : i32
      %add3A_206 = arith.addi %mul3A_204, %add3A_205 : i32
      %mul3A_207 = arith.constant 16 : i32
      %mul3A_208 = arith.muli %add3A_206, %mul3A_207 : i32
      %mul3A_209 = arith.constant 16 : i32
      %mul3A_210 = arith.muli %add3A_202, %mul3A_209 : i32
      %add3A_211 = arith.addi %mul3A_2, %mul3A_210 : i32
      %dma_start3A_212 = arith.constant 0 : i32
      %dma_start3A_213 = tpu.memref_slice %arg4[%add3A_211, %dma_start3A_212] : memref<32768x1024xf32, #tpu.memory_space<hbm>> -> memref<16x1024xf32, #tpu.memory_space<hbm>>
      %dma_start3A_214 = arith.constant 0 : i32
      %dma_start3A_215 = tpu.memref_slice %arg10[%mul3A_208, %dma_start3A_214] : memref<512x1024xf32, #tpu.memory_space<vmem_shared>> -> memref<16x1024xf32, #tpu.memory_space<vmem_shared>>
      tpu.enqueue_dma source(%dma_start3A_215 : memref<16x1024xf32, #tpu.memory_space<vmem_shared>>) target(%dma_start3A_213 : memref<16x1024xf32, #tpu.memory_space<hbm>>) target_semaphore(%arg17 : memref<!tpu.dma_semaphore, #tpu.memory_space<semaphore_mem>>)
      %add3A_216 = arith.constant 1 : i32
      %add3A_217 = arith.addi %scan3A_54, %add3A_216 : i32
      %lt3A_218 = arith.constant 16 : i32
      %lt3A_219 = arith.cmpi slt, %add3A_217, %lt3A_218 : i32
      %convert_element_type3A_220 = arith.extui %lt3A_219 : i1 to i32
      %cond3A_221 = arith.constant 0 : i32
      %cond3A_222 = arith.cmpi ne, %convert_element_type3A_220, %cond3A_221 : i32
      scf.if %cond3A_222 {
        %add3A_283 = arith.constant 4 : i32
        %add3A_284 = arith.addi %mul3A_56, %add3A_283 : i32
        %add3A_285 = arith.constant 2 : i32
        %add3A_286 = arith.addi %add3A_284, %add3A_285 : i32
        %dma_start3A_287 = arith.constant 0 : i32
        %dma_start3A_288 = tpu.memref_slice %arg5[%add3A_286, %dma_start3A_287] : memref<64x16xi32, #tpu.memory_space<vmem>> -> memref<1x16xi32, #tpu.memory_space<vmem>>
        %dma_start3A_289 = tpu.memref_squeeze %dma_start3A_288 : memref<1x16xi32, #tpu.memory_space<vmem>> -> memref<16xi32, #tpu.memory_space<vmem>>
        %dma_start3A_290 = arith.constant 0 : i32
        %dma_start3A_291 = arith.constant 0 : i32
        %dma_start3A_292 = tpu.memref_slice %arg3[%dma_start3A_290, %dma_start3A_291] : memref<8192x1024xf32, #tpu.memory_space<hbm>> -> memref<8192x1024xf32, #tpu.memory_space<hbm>>
        tpu.enqueue_indirect_dma source(%dma_start3A_292 : memref<8192x1024xf32, #tpu.memory_space<hbm>>) target(%arg8 : memref<16x1024xf32, #tpu.memory_space<vmem>>) offsets(%dma_start3A_289 : memref<16xi32, #tpu.memory_space<vmem>>) semaphore(%arg13 : memref<!tpu.dma_semaphore, #tpu.memory_space<semaphore_mem>>)
      } else {
      }
      %add3A_223 = arith.constant 3 : i32
      %add3A_224 = arith.addi %mul3A_56, %add3A_223 : i32
      %dma_wait3A_225 = arith.constant 0 : i32
      %dma_wait3A_226 = tpu.memref_slice %arg5[%add3A_224, %dma_wait3A_225] : memref<64x16xi32, #tpu.memory_space<vmem>> -> memref<1x16xi32, #tpu.memory_space<vmem>>
      %dma_wait3A_227 = tpu.memref_squeeze %dma_wait3A_226 : memref<1x16xi32, #tpu.memory_space<vmem>> -> memref<16xi32, #tpu.memory_space<vmem>>
      %dma_wait3A_228 = arith.constant 0 : i32
      %dma_wait3A_229 = arith.constant 0 : i32
      %dma_wait3A_230 = tpu.memref_slice %arg3[%dma_wait3A_228, %dma_wait3A_229] : memref<8192x1024xf32, #tpu.memory_space<hbm>> -> memref<8192x1024xf32, #tpu.memory_space<hbm>>
      tpu.wait_indirect_dma semaphore(%arg14 : memref<!tpu.dma_semaphore, #tpu.memory_space<semaphore_mem>>) src(%dma_wait3A_230 : memref<8192x1024xf32, #tpu.memory_space<hbm>>) dst(%arg9 : memref<16x1024xf32, #tpu.memory_space<vmem>>)
      %mul3A_231 = arith.constant 2 : i32
      %mul3A_232 = arith.muli %arg1, %mul3A_231 : i32
      %add3A_233 = arith.constant 1 : i32
      %add3A_234 = arith.addi %mul3A_232, %add3A_233 : i32
      %mul3A_235 = arith.constant 16 : i32
      %mul3A_236 = arith.muli %add3A_234, %mul3A_235 : i32
      %dma_wait3A_237 = arith.constant 0 : i32
      %dma_wait3A_238 = tpu.memref_slice %arg4[%mul3A_2, %dma_wait3A_237] : memref<32768x1024xf32, #tpu.memory_space<hbm>> -> memref<16x1024xf32, #tpu.memory_space<hbm>>
      %dma_wait3A_239 = arith.constant 0 : i32
      %dma_wait3A_240 = tpu.memref_slice %arg10[%mul3A_236, %dma_wait3A_239] : memref<512x1024xf32, #tpu.memory_space<vmem_shared>> -> memref<16x1024xf32, #tpu.memory_space<vmem_shared>>
      tpu.wait_dma2 semaphore(%arg18 : memref<!tpu.dma_semaphore, #tpu.memory_space<semaphore_mem>>) src(%dma_wait3A_240 : memref<16x1024xf32, #tpu.memory_space<vmem_shared>>) dst(%dma_wait3A_238 : memref<16x1024xf32, #tpu.memory_space<hbm>>)
      %mul3A_241 = arith.constant 2 : i32
      %mul3A_242 = arith.muli %arg1, %mul3A_241 : i32
      %add3A_243 = arith.constant 1 : i32
      %add3A_244 = arith.addi %mul3A_242, %add3A_243 : i32
      %mul3A_245 = arith.constant 16 : i32
      %mul3A_246 = arith.muli %add3A_244, %mul3A_245 : i32
      %dma_start3A_247 = arith.constant 0 : i32
      %dma_start3A_248 = tpu.memref_slice %arg10[%mul3A_246, %dma_start3A_247] : memref<512x1024xf32, #tpu.memory_space<vmem_shared>> -> memref<16x1024xf32, #tpu.memory_space<vmem_shared>>
      %dma_start3A_249 = arith.constant 0 : i32
      %dma_start3A_250 = tpu.memref_slice %arg10[%mul3A_246, %dma_start3A_249] : memref<512x1024xf32, #tpu.memory_space<vmem_shared>> -> memref<16x1024xf32, #tpu.memory_space<vmem_shared>>
      tpu.enqueue_dma source(%arg9 : memref<16x1024xf32, #tpu.memory_space<vmem>>) target(%dma_start3A_250 : memref<16x1024xf32, #tpu.memory_space<vmem_shared>>) target_semaphore(%arg16 : memref<!tpu.dma_semaphore, #tpu.memory_space<semaphore_mem>>)
      %mul3A_251 = arith.constant 2 : i32
      %mul3A_252 = arith.muli %arg1, %mul3A_251 : i32
      %add3A_253 = arith.constant 1 : i32
      %add3A_254 = arith.addi %mul3A_252, %add3A_253 : i32
      %mul3A_255 = arith.constant 16 : i32
      %mul3A_256 = arith.muli %add3A_254, %mul3A_255 : i32
      %dma_wait3A_257 = arith.constant 0 : i32
      %dma_wait3A_258 = tpu.memref_slice %arg10[%mul3A_256, %dma_wait3A_257] : memref<512x1024xf32, #tpu.memory_space<vmem_shared>> -> memref<16x1024xf32, #tpu.memory_space<vmem_shared>>
      %dma_wait3A_259 = arith.constant 0 : i32
      %dma_wait3A_260 = tpu.memref_slice %arg10[%mul3A_256, %dma_wait3A_259] : memref<512x1024xf32, #tpu.memory_space<vmem_shared>> -> memref<16x1024xf32, #tpu.memory_space<vmem_shared>>
      tpu.wait_dma2 semaphore(%arg16 : memref<!tpu.dma_semaphore, #tpu.memory_space<semaphore_mem>>) src(%arg9 : memref<16x1024xf32, #tpu.memory_space<vmem>>) dst(%dma_wait3A_260 : memref<16x1024xf32, #tpu.memory_space<vmem_shared>>)
      %add3A_261 = arith.constant 3 : i32
      %add3A_262 = arith.addi %mul3A_56, %add3A_261 : i32
      %mul3A_263 = arith.constant 2 : i32
      %mul3A_264 = arith.muli %arg1, %mul3A_263 : i32
      %add3A_265 = arith.constant 1 : i32
      %add3A_266 = arith.addi %mul3A_264, %add3A_265 : i32
      %mul3A_267 = arith.constant 16 : i32
      %mul3A_268 = arith.muli %add3A_266, %mul3A_267 : i32
      %mul3A_269 = arith.constant 16 : i32
      %mul3A_270 = arith.muli %add3A_262, %mul3A_269 : i32
      %add3A_271 = arith.addi %mul3A_2, %mul3A_270 : i32
      %dma_start3A_272 = arith.constant 0 : i32
      %dma_start3A_273 = tpu.memref_slice %arg4[%add3A_271, %dma_start3A_272] : memref<32768x1024xf32, #tpu.memory_space<hbm>> -> memref<16x1024xf32, #tpu.memory_space<hbm>>
      %dma_start3A_274 = arith.constant 0 : i32
      %dma_start3A_275 = tpu.memref_slice %arg10[%mul3A_268, %dma_start3A_274] : memref<512x1024xf32, #tpu.memory_space<vmem_shared>> -> memref<16x1024xf32, #tpu.memory_space<vmem_shared>>
      tpu.enqueue_dma source(%dma_start3A_275 : memref<16x1024xf32, #tpu.memory_space<vmem_shared>>) target(%dma_start3A_273 : memref<16x1024xf32, #tpu.memory_space<hbm>>) target_semaphore(%arg18 : memref<!tpu.dma_semaphore, #tpu.memory_space<semaphore_mem>>)
      %add3A_276 = arith.constant 1 : i32
      %add3A_277 = arith.addi %scan3A_54, %add3A_276 : i32
      %lt3A_278 = arith.constant 16 : i32
      %lt3A_279 = arith.cmpi slt, %add3A_277, %lt3A_278 : i32
      %convert_element_type3A_280 = arith.extui %lt3A_279 : i1 to i32
      %cond3A_281 = arith.constant 0 : i32
      %cond3A_282 = arith.cmpi ne, %convert_element_type3A_280, %cond3A_281 : i32
      scf.if %cond3A_282 {
        %add3A_283 = arith.constant 4 : i32
        %add3A_284 = arith.addi %mul3A_56, %add3A_283 : i32
        %add3A_285 = arith.constant 3 : i32
        %add3A_286 = arith.addi %add3A_284, %add3A_285 : i32
        %dma_start3A_287 = arith.constant 0 : i32
        %dma_start3A_288 = tpu.memref_slice %arg5[%add3A_286, %dma_start3A_287] : memref<64x16xi32, #tpu.memory_space<vmem>> -> memref<1x16xi32, #tpu.memory_space<vmem>>
        %dma_start3A_289 = tpu.memref_squeeze %dma_start3A_288 : memref<1x16xi32, #tpu.memory_space<vmem>> -> memref<16xi32, #tpu.memory_space<vmem>>
        %dma_start3A_290 = arith.constant 0 : i32
        %dma_start3A_291 = arith.constant 0 : i32
        %dma_start3A_292 = tpu.memref_slice %arg3[%dma_start3A_290, %dma_start3A_291] : memref<8192x1024xf32, #tpu.memory_space<hbm>> -> memref<8192x1024xf32, #tpu.memory_space<hbm>>
        tpu.enqueue_indirect_dma source(%dma_start3A_292 : memref<8192x1024xf32, #tpu.memory_space<hbm>>) target(%arg9 : memref<16x1024xf32, #tpu.memory_space<vmem>>) offsets(%dma_start3A_289 : memref<16xi32, #tpu.memory_space<vmem>>) semaphore(%arg14 : memref<!tpu.dma_semaphore, #tpu.memory_space<semaphore_mem>>)
      } else {
      }
    }
    %scan3A_34 = arith.constant 16 : i32
    %mul3A_35 = arith.constant 2 : i32
    %mul3A_36 = arith.muli %arg1, %mul3A_35 : i32
    %add3A_37 = arith.constant 0 : i32
    %add3A_38 = arith.addi %mul3A_36, %add3A_37 : i32
    %mul3A_39 = arith.constant 16 : i32
    %mul3A_40 = arith.muli %add3A_38, %mul3A_39 : i32
    %dma_wait3A = arith.constant 0 : i32
    %dma_wait3A_41 = tpu.memref_slice %arg4[%mul3A_2, %dma_wait3A] : memref<32768x1024xf32, #tpu.memory_space<hbm>> -> memref<16x1024xf32, #tpu.memory_space<hbm>>
    %dma_wait3A_42 = arith.constant 0 : i32
    %dma_wait3A_43 = tpu.memref_slice %arg10[%mul3A_40, %dma_wait3A_42] : memref<512x1024xf32, #tpu.memory_space<vmem_shared>> -> memref<16x1024xf32, #tpu.memory_space<vmem_shared>>
    tpu.wait_dma2 semaphore(%arg17 : memref<!tpu.dma_semaphore, #tpu.memory_space<semaphore_mem>>) src(%dma_wait3A_43 : memref<16x1024xf32, #tpu.memory_space<vmem_shared>>) dst(%dma_wait3A_41 : memref<16x1024xf32, #tpu.memory_space<hbm>>)
    %mul3A_44 = arith.constant 2 : i32
    %mul3A_45 = arith.muli %arg1, %mul3A_44 : i32
    %add3A_46 = arith.constant 1 : i32
    %add3A_47 = arith.addi %mul3A_45, %add3A_46 : i32
    %mul3A_48 = arith.constant 16 : i32
    %mul3A_49 = arith.muli %add3A_47, %mul3A_48 : i32
    %dma_wait3A_50 = arith.constant 0 : i32
    %dma_wait3A_51 = tpu.memref_slice %arg4[%mul3A_2, %dma_wait3A_50] : memref<32768x1024xf32, #tpu.memory_space<hbm>> -> memref<16x1024xf32, #tpu.memory_space<hbm>>
    %dma_wait3A_52 = arith.constant 0 : i32
    %dma_wait3A_53 = tpu.memref_slice %arg10[%mul3A_49, %dma_wait3A_52] : memref<512x1024xf32, #tpu.memory_space<vmem_shared>> -> memref<16x1024xf32, #tpu.memory_space<vmem_shared>>
    tpu.wait_dma2 semaphore(%arg18 : memref<!tpu.dma_semaphore, #tpu.memory_space<semaphore_mem>>) src(%dma_wait3A_53 : memref<16x1024xf32, #tpu.memory_space<vmem_shared>>) dst(%dma_wait3A_51 : memref<16x1024xf32, #tpu.memory_space<hbm>>)
    return
  }
}

</mosaic_0001>

<sc_bundles>
// kernel: kernel.3.cloned.1.call-start
scs
__scs_entry_jumppad:
0x0: {  	(pc) =	sbr.rel $0x88, $3  }
0x1: {  	(tag) =	ssettag $0x0;
	lr =	simm.s32 $0x1  }
0x2: {  	[smem:$0x3F9F] =	sst lr;
	_ =	strace $0xD0000000  }
0x3: {  	_ = 	snop  }
0x4: {  	_ = 	snop  }
0x5: {  	_ = 	snop  }
0x6: {  	_ = 	snop  }
0x7: {  	_ = 	snop  }
__scs_overlays_trampoline_lowered:
0x8: {  	[smem:$0x3FAE] =	sst s0  }
0x9: {  	[smem:$0x3FAF] =	sst s1  }
0xa: {  	[smem:$0x3FB0] =	sst s2  }
0xb: {  	[smem:$0x3FB1] =	sst s3  }
0xc: {  	[smem:$0x3FB2] =	sst s4  }
0xd: {  	[smem:$0x3FB3] =	sst s5  }
0xe: {  	[smem:$0x3FB4] =	sst s6  }
0xf: {  	[smem:$0x3FB5] =	sst s7  }
0x10: {  	[smem:$0x3FB6] =	sst s8  }
0x11: {  	[smem:$0x3FB7] =	sst s9;
	s0 =	simm.s32 @!p0 $0x0  }
0x12: {  	s1 =	sld [smem:$0x3F9D];
	s0 =	simm.s32 @p0 $0x1  }
0x13: {  	[smem:$0x3FB8] =	sst s0;
	s0 =	simm.s32 @!p1 $0x0  }
0x14: {  	s2 =	sld [smem:$0x3F9C];
	s0 =	simm.s32 @p1 $0x1  }
0x15: {  	[smem:$0x3FB9] =	sst s0;
	s0 =	simm.s32 @!p2 $0x0  }
0x16: {  	s3 =	sld [smem:$0x3FDB];
	s0 =	simm.s32 @p2 $0x1  }
0x17: {  	s4 =	simm.s32 $0x1BF5;
	[smem:$0x3FBB] =	sst s0  }
0x18: {  	s0 =	sld [smem:$0x3F9E];
	_ =	swait.ge [sflag:s4], $0x0  }
0x19: {  	s7 =	sld [smem:$0x3F9F]  }
0x1a: {  	s8 =	sadd.s32 $0xFFFFE003, lr  }
0x1b: {  	s9 =	sadd.s32 $0xFFFFFEF7, lr;
	s5 =	simm.s32 $0xFFFFFFFF;
	p2 =	slt.u32 s8, $0xFFFFF086  }
0x1c: {  	p1 =	slt.u32 s9, $0xF7A;
	s5 =	simm.s32 @!p2 $0x0  }
0x1d: {  	s5 =	simm.s32 @p1 $0x1;
	p0 =	seq.s32 s7, s2  }
0x1e: {  	s7 =	smul.u32 @!p0 $0xF7A, s2;
	p2 =	seq.s32 @!p0 s5, $0x0  }
0x1f: {  	s9 =	smul.u32 $0xF7A, s1;
	s8 =	simm.s32 @!p0 $0x1BF5;
	p2 =	por !p2, p0  }
0x20: {  	[sflag:s8] =	ssyncset.s32 @!p0 $0xFFFFF086;
	s6 =	sadd.s32 @!p0 s3, s7;
	s7 =	simm.s32 @!p0 $0x108  }
0x21: {  	s3 =	sadd.s32 s3, s9;
	s6 =	sadd.s32 @!p0 $0x88, s6;
	s7 =	simm.s32 @p2 $0x1082  }
0x22: {  	[simem:s7], [sflag:s8] =	dma.local @!p0 [hbm:s6], $0xF7A  }
0x23: {  	s9 =	sor.u32 $0xD0000000, s2;
	s6 =	simm.s32 $0x108;
	_ =	swait.ge @!p0 [sflag:s8], $0x0  }
0x24: {  	s3 =	sadd.s32 $0x88, s3;
	s6 =	simm.s32 @!p1 $0x1082;
	[sflag:s4] =	ssyncset.s32 $0xFFFFF086  }
0x25: {  	[simem:s6], [sflag:s4] =	dma.local [hbm:s3], $0xF7A  }
0x26: {  	[smem:$0x3F9F] =	sst s1;
	(tag) =	ssettag s2;
	_ =	strace s9  }
0x27: {  	s1 =	sld [smem:$0x3FAF]  }
0x28: {  	s2 =	sld [smem:$0x3FB0]  }
0x29: {  	s4 =	sld [smem:$0x3FB2]  }
0x2a: {  	p0 =	seq.s32 s5, $0x0;
	s5 =	sld [smem:$0x3FB3]  }
0x2b: {  	s6 =	sld [smem:$0x3FB4]  }
0x2c: {  	s7 =	sld [smem:$0x3FB5]  }
0x2d: {  	s3 =	simm.s32 $0x108;
	s8 =	sld [smem:$0x3FB6]  }
0x2e: {  	s3 =	simm.s32 @!p0 $0x1082;
	s9 =	sld [smem:$0x3FB7]  }
0x2f: {  	lr =	sadd.s32 s0, s3;
	s0 =	sld [smem:$0x3FAE]  }
0x30: {  	s3 =	sld [smem:$0x3FB1]  }
0x31: {  	[smem:$0x3FBA] =	sst s10  }
0x32: {  	s10 =	sld [smem:$0x3FB8];
	_ =	sdelay $0x3  }
0x33: {  	p0 =	seq.s32 s10, $0x1;
	s10 =	sld [smem:$0x3FBA];
	_ =	sdelay $0x3  }
0x34: {  	[smem:$0x3FBA] =	sst s10  }
0x35: {  	s10 =	sld [smem:$0x3FB9];
	_ =	sdelay $0x3  }
0x36: {  	p1 =	seq.s32 s10, $0x1;
	s10 =	sld [smem:$0x3FBA];
	_ =	sdelay $0x3  }
0x37: {  	[smem:$0x3FBA] =	sst s10  }
0x38: {  	s10 =	sld [smem:$0x3FBB]  }
0x39: {  	_ = 	snop;
	(pc) =	sbr.ind lr, $3  }
0x3a: {  	_ = 	snop  }
0x3b: {  	_ = 	snop  }
0x3c: {  	p2 =	seq.s32 s10, $0x1;
	s10 =	sld [smem:$0x3FBA]  }
0x3d: {  	_ =	shalt  }
0x3e: {  	_ =	shalt  }
0x3f: {  	_ =	shalt  }
0x40: {  	_ =	shalt  }
0x41: {  	_ =	shalt  }
0x42: {  	_ =	shalt  }
0x43: {  	_ =	shalt  }
0x44: {  	_ =	shalt  }
0x45: {  	_ =	shalt  }
0x46: {  	_ =	shalt  }
0x47: {  	_ =	shalt  }
0x48: {  	_ =	shalt  }
0x49: {  	_ =	shalt  }
0x4a: {  	_ =	shalt  }
0x4b: {  	_ =	shalt  }
0x4c: {  	_ =	shalt  }
0x4d: {  	_ =	shalt  }
0x4e: {  	_ =	shalt  }
0x4f: {  	_ =	shalt  }
0x50: {  	_ =	shalt  }
0x51: {  	_ =	shalt  }
0x52: {  	_ =	shalt  }
0x53: {  	_ =	shalt  }
0x54: {  	_ =	shalt  }
0x55: {  	_ =	shalt  }
0x56: {  	_ =	shalt  }
0x57: {  	_ =	shalt  }
0x58: {  	_ =	shalt  }
0x59: {  	_ =	shalt  }
0x5a: {  	_ =	shalt  }
0x5b: {  	_ =	shalt  }
0x5c: {  	_ =	shalt  }
0x5d: {  	_ =	shalt  }
0x5e: {  	_ =	shalt  }
0x5f: {  	_ =	shalt  }
0x60: {  	_ =	shalt  }
0x61: {  	_ =	shalt  }
0x62: {  	_ =	shalt  }
0x63: {  	_ =	shalt  }
0x64: {  	_ =	shalt  }
0x65: {  	_ =	shalt  }
0x66: {  	_ =	shalt  }
0x67: {  	_ =	shalt  }
0x68: {  	_ =	shalt  }
0x69: {  	_ =	shalt  }
0x6a: {  	_ =	shalt  }
0x6b: {  	_ =	shalt  }
0x6c: {  	_ =	shalt  }
0x6d: {  	_ =	shalt  }
0x6e: {  	_ =	shalt  }
0x6f: {  	_ =	shalt  }
0x70: {  	_ =	shalt  }
0x71: {  	_ =	shalt  }
0x72: {  	_ =	shalt  }
0x73: {  	_ =	shalt  }
0x74: {  	_ =	shalt  }
0x75: {  	_ =	shalt  }
0x76: {  	_ =	shalt  }
0x77: {  	_ =	shalt  }
0x78: {  	_ =	shalt  }
0x79: {  	_ =	shalt  }
0x7a: {  	_ =	shalt  }
0x7b: {  	_ =	shalt  }
0x7c: {  	_ =	shalt  }
0x7d: {  	_ =	shalt  }
0x7e: {  	_ =	shalt  }
0x7f: {  	_ =	shalt  }
0x80: {  	_ =	shalt  }
0x81: {  	_ =	shalt  }
0x82: {  	_ =	shalt  }
0x83: {  	_ =	shalt  }
0x84: {  	_ =	shalt  }
0x85: {  	_ =	shalt  }
0x86: {  	_ =	shalt  }
0x87: {  	_ =	shalt  }
.Lfunc_end0:
.L_simem_size_0:
called_computation_lowered:
.L_overlay_start_0:
0x88: {  	s2 =	sld [smem:$0x3FD9]  }
0x89: {  	s3 =	sld [smem:$0x3FFE];
	_ =	sdelay $0x1  }
0x8a: {  	s1 =	srdreg.scid  }
0x8b: {  	s0 =	sand.u32 $0x1, s1  }
0x8c: {  	s17 =	sshll.u32 s0, $0xA;
	s2 =	sadd.s32 s3, s2  }
0x8d: {  	s2 =	sadd.s32 s2, s17  }
0x8e: {  	[smem:$0x3FC6] =	sst s2  }
0x8f: {  	_ = 	snop  }
0x90: {  	s2 =	sld [smem:$0x3FC8]  }
0x91: {  	s18 =	sld [smem:$0x3FD0];
	(tm) =	ssettm $0x1  }
0x92: {  	s4 =	sld [smem:$0x3FFB];
	_ =	sdelay $0x3  }
0x93: {  	_ =	strace s4  }
0x94: {  	s4 =	sld [smem:$0x3FFC];
	_ =	sdelay $0x3  }
0x95: {  	_ =	strace s4  }
0x96: {  	s4 =	sld [smem:$0x3FFD];
	_ =	sdelay $0x3  }
0x97: {  	_ =	strace s4  }
0x98: {  	_ =	strace $0x8FFFFFFF  }
0x99: {  	s19 =	sld [smem:$0x3FDB];
	_ =	sdelay $0x1  }
0x9a: {  	s5 =	simm.s32 $_scs_section_size  }
0x9b: {  	s6 =	simm.s32 $_size__tile_overlayer_lowered;
	s7 =	simm.s32 $_tile_overlayer_lowered  }
0x9c: {  	s22 =	simm.s32 $0x1BFF;
	s21 =	sshll.u32 s7, $0x1;
	s4 =	sadd.s32 s5, s19  }
0x9d: {  	s8 =	simm.s32 $0x0;
	s20 =	sshll.u32 s6, $0x1;
	s6 =	sadd.s32 s21, s4  }
0x9e: {  	[timem:s8], [sflag:s22] =	dma.local [hbm:s6], s20  }
0x9f: {  	_ =	swait.ge [sflag:s22], s20  }
0xa0: {  	s5 =	ssub.s32 $0x0, s20;
	[sflag:s22] =	ssyncset.done $0x0  }
0xa1: {  	[sflag:s22] =	ssyncadd.s32 s5;
	_ =	sdelay $0x1  }
0xa2: {  	s23 =	simm.s32 $0x1B8B  }
0xa3: {  	_ =	swait.ge [sflag:s23], $0x1  }
0xa4: {  	[sflag:s23] =	ssyncset.done $0x0  }
0xa5: {  	s25 =	simm.s32 $0x1B8E;
	s24 =	sld [smem:$0x3FFE];
	[sflag:s23] =	ssyncadd.s32 $0xFFFFFFFF  }
0xa6: {  	s26 =	simm.s32 $execute0_lowered;
	[smem:$0x3FD2] =	sst s25  }
0xa7: {  	s6 =	sshll.u32 s26, $0x1;
	_ =	strace $0x80000046;
	[dreg:$0x1] =	wrdreg $0xFFFFFFFF  }
0xa8: {  	s28 =	simm.s32 $_size_execute0_lowered;
	s4 =	sadd.s32 s4, s6;
	[dreg:$0x0] =	wrdreg $0x0  }
0xa9: {  	s6 =	sshll.u32 s28, $0x1;
	[dreg:$0x2] =	wrdreg s4  }
0xaa: {  	[dreg:$0x3] =	wrdreg s6  }
0xab: {  	[dreg:$0x4] =	wrdreg $0xC0  }
0xac: {  	_ =	task [dreg:s8], $0x5FFFF  }
0xad: {  	[dreg:$0x1] =	wrdreg $0xFFFFFFFF  }
0xae: {  	[dreg:$0x0] =	wrdreg $0x60  }
0xaf: {  	[dreg:$0x2] =	wrdreg s24  }
0xb0: {  	[dreg:$0x3] =	wrdreg s2  }
0xb1: {  	[dreg:$0x4] =	wrdreg s18  }
0xb2: {  	[dreg:$0x5] =	wrdreg $0x120000  }
0xb3: {  	[dreg:$0x6] =	wrdreg $0x9  }
0xb4: {  	_ =	task.clear_ibuf [dreg:s8], $0x7FFFF;
	_ =	strace $0x90000046  }
0xb5: {  	s29 =	simm.s32 $0x9;
	_ =	strace $0x80000048  }
0xb6: {  	_ =	swait.ge [sflag:s29], $0x1  }
0xb7: {  	[sflag:s29] =	ssyncadd.s32 $0xFFFFFFFF  }
0xb8: {  	_ =	strace $0x90000048  }
0xb9: {  	_ =	sfence  }
0xba: {  	s30 =	sld [smem:$0x0];
	_ =	sdelay $0x2  }
0xbb: {  	s31 =	sshll.u32 s1, $0xD;
	s1 =	sshrl.u32 s1, $0x2  }
0xbc: {  	s3 =	sand.u32 $0x4000, s31;
	s1 =	sadd.s32 s1, s30  }
0xbd: {  	s0 =	sor.u32 s3, s0;
	s1 =	sshll.u32 s1, $0x11  }
0xbe: {  	s0 =	sor.u32 s1, s0  }
0xbf: {  	s0 =	sadd.s32 $0x8F2B, s0  }
0xc0: {  	[sflag:s0] =	ssyncadd.remote.s32 $0x1  }
0xc1: {  	_ =	sfence.sel $0xFFFF  }
0xc2: {  	[dreg:$0x0] =	wrdreg $0xFFFFFFFF;
	(pc) =	sbr.abs _section_cstart, $3  }
0xc3: {  	[dreg:$0x1] =	wrdreg $0xFFFFFFFF  }
0xc4: {  	_ =	task.clear_ibuf [dreg:s8], $0x2FFFF;
	_ =	strace $0x9FFFFFFF  }
0xc5: {  	(tm) =	ssettm $0x7FFFFFFF  }
tec
execute0_lowered:
.L_overlay_start_1:
0x0: {  	(tag) =	ssettag $0x1  }
0x1: {  	s0 =	rddreg [dreg:$0x0]  }
0x2: {  	s1 =	rddreg [dreg:$0x1]  }
0x3: {  	s4 =	rddreg [dreg:$0x2]  }
0x4: {  	s8 =	rddreg [dreg:$0x3]  }
0x5: {  	s5 =	srdreg.scid;
	s3 =	simm.s32 $0x0;
	s2 =	stileid.u32  }
0x6: {  	s13 =	simm.s32 $0x2000;
	s20 =	simm.s32 $0x5800;
	s21 =	simm.s32 $0x6000  }
0x7: {  	s30 =	simm.s32 $0xA000;
	s28 =	simm.s32 $0xE000;
	s29 =	simm.s32 $0x5  }
0x8: {  	s31 =	simm.s32 $0x2;
	s9 =	sand.u32 $0x1, s5;
	s22 =	sshll.u32 s2, $0xB  }
0x9: {  	[smem:$0x7FF] =	sst s3;
	s24 =	sshll.u32 s2, $0xF;
	s11 =	sshll.u32 s2, $0x12  }
0xa: {  	s6 =	sshll.u32 s9, $0xA;
	s7 =	ssub.s32 $0x2, s9;
	_ =	strace $0x80000047  }
0xb: {  	s8 =	sadd.s32 s24, s8;
	s25 =	sadd.s32 s11, s4;
	s26 =	sshll.u32 s9, $0x11  }
0xc: {  	s24 =	simm.s32 $0x7;
	s5 =	sor.u32 s6, s22;
	s23 =	sshrl.u32 s7, $0x1  }
0xd: {  	s6 =	sadd.s32 $0x200, s1;
	s9 =	sadd.s32 $0x4000, s8;
	s11 =	sadd.s32 s26, s25  }
.Ltmp0:
0xe: {  	s26 =	simm.s32 $0x1;
	s22 =	simm.s32 $0x6;
	(pc) =	sbr.rel .LBB2_1-.Ltmp0, $4  }
0xf: {  	s25 =	simm.s32 $0x4;
	s0 =	sadd.s32 s5, s0;
	s10 =	ssub.s32 s7, s23  }
0x10: {  	v2 =	vlaneseq.u32;
	s5 =	sadd.s32 $0x100, s1;
	s7 =	sadd.s32 $0x300, s1;
	s0 =	sadd.s32 $0x400, s0  }
0x11: {  	vm0 =	vmmov $0xffff;
	v1 =	vshrl.u32 v2, $0x3;
	s23 =	simm.s32 $0x3;
	s10 =	smax.u32 s10, $0x1;
	[dreg:$0x5] =	wrdreg s0  }
0x12: {  	v0 =	vand.u32 $0x7, v2;
	v2 =	vor.u32 $0x8, v2;
	v1 =	vmul.u32 $0x8, v1;
	[dreg:$0x6] =	wrdreg s10;
	s0 =	simm.s32 $0x8;
	s10 =	simm.s32 $0x0  }
.LBB2_7:
0x13: {  	_ =	swait.ge [sflag:s24], $0x800  }
0x14: {  	[sflag:s24] =	ssyncset.done $0x0  }
0x15: {  	[sflag:s24] =	ssyncadd.s32 $0xFFFFF800  }
0x16: {  	_ =	swait.ge [sflag:s0], $0x800  }
0x17: {  	s10 =	rddreg [dreg:$0x7]  }
0x18: {  	s4 =	rddreg [dreg:$0x6];
	s10 =	sadd.s32 $0x1, s10  }
0x19: {  	p0 =	sne.s32 s10, s4  }
.Ltmp1:
0x1a: {  	_ = 	snop;
	(pc) =	sbr.rel @!p0 .LBB2_8-.Ltmp1, $3  }
0x1b: {  	_ =	sdelay $0x1  }
0x1c: {  	[sflag:s0] =	ssyncset.done $0x0  }
0x1d: {  	[sflag:s0] =	ssyncadd.s32 $0xFFFFF800  }
.LBB2_1:
0x1e: {  	[dreg:$0x7] =	wrdreg s10  }
0x1f: {  	s4 =	rddreg [dreg:$0x5];
	s16 =	simm.s32 $0x9  }
0x20: {  	[tilespmem:s3], [sflag:$0x9] =	stream.linear.gather [hbm4b:s4+s3], $0x2000, $0x38;
	[tilespmem:$0x1A000] =	vst v63  }
0x21: {  	_ =	swait.ge [sflag:s16], $0x2000  }
0x22: {  	[sflag:s16] =	ssyncset.done $0x0  }
0x23: {  	[sflag:s16] =	ssyncadd.s32 $0xFFFFE000  }
0x24: {  	v3 =	vld [tilespmem:$0x0];
	_ =	sdelay $0x4  }
0x25: {  	v4 =	vshll.u32 v3, $0x3  }
0x26: {  	v3 =	vand.u32 $0x7, v3;
	v4 =	vand.u32 $0xFFFFFFC0, v4  }
0x27: {  	v3 =	vor.u32 v3, v4  }
0x28: {  	v4 =	vperm.xlane v3, v0;
	_ =	sdelay $0x1  }
0x29: {  	v4 =	vadd.s32 v1, v4;
	_ =	sdelay $0x4  }
0x2a: {  	[tilespmem:s13], [sflag:$0x1] =	stream.indirect_vreg.gather [hbm4b:s1+s3], $0x80, v4, vm0, $0xb8;
	[tilespmem:$0x1A000] =	vst v63  }
0x2b: {  	s17 =	simm.s32 $0x2800;
	v3 =	vperm.xlane v3, v2  }
0x2c: {  	[tilespmem:s17], [sflag:$0x1] =	stream.indirect_vreg.gather [hbm4b:s5+s3], $0x80, v4, vm0, $0xb8;
	[tilespmem:$0x1A000] =	vst v63  }
0x2d: {  	s18 =	simm.s32 $0x3000;
	v3 =	vadd.s32 v1, v3  }
0x2e: {  	[tilespmem:s18], [sflag:$0x1] =	stream.indirect_vreg.gather [hbm4b:s6+s3], $0x80, v4, vm0, $0xb8;
	[tilespmem:$0x1A000] =	vst v63  }
0x2f: {  	s19 =	simm.s32 $0x3800  }
0x30: {  	[tilespmem:s19], [sflag:$0x1] =	stream.indirect_vreg.gather [hbm4b:s7+s3], $0x80, v4, vm0, $0xb8;
	[tilespmem:$0x1A000] =	vst v63  }
0x31: {  	s10 =	simm.s32 $0x4000  }
0x32: {  	[tilespmem:s10], [sflag:$0x1] =	stream.indirect_vreg.gather [hbm4b:s1+s3], $0x80, v3, vm0, $0xb8;
	[tilespmem:$0x1A000] =	vst v63  }
0x33: {  	s12 =	simm.s32 $0x4800  }
0x34: {  	[tilespmem:s12], [sflag:$0x1] =	stream.indirect_vreg.gather [hbm4b:s5+s3], $0x80, v3, vm0, $0xb8;
	[tilespmem:$0x1A000] =	vst v63  }
0x35: {  	s14 =	simm.s32 $0x5000  }
0x36: {  	[tilespmem:s14], [sflag:$0x1] =	stream.indirect_vreg.gather [hbm4b:s6+s3], $0x80, v3, vm0, $0xb8;
	[tilespmem:$0x1A000] =	vst v63  }
0x37: {  	_ = 	snop  }
0x38: {  	[tilespmem:s20], [sflag:$0x1] =	stream.indirect_vreg.gather [hbm4b:s7+s3], $0x80, v3, vm0, $0xb8;
	[tilespmem:$0x1A000] =	vst v63  }
0x39: {  	v3 =	vld [tilespmem:$0x80];
	_ =	sdelay $0x4  }
0x3a: {  	v61 =	vshll.u32 v3, $0x3  }
0x3b: {  	v3 =	vand.u32 $0x7, v3;
	v4 =	vand.u32 $0xFFFFFFC0, v61  }
0x3c: {  	v3 =	vor.u32 v3, v4  }
0x3d: {  	v4 =	vperm.xlane v3, v0;
	_ =	sdelay $0x1  }
0x3e: {  	v4 =	vadd.s32 v1, v4;
	_ =	sdelay $0x4  }
0x3f: {  	[tilespmem:s21], [sflag:$0x2] =	stream.indirect_vreg.gather [hbm4b:s1+s3], $0x80, v4, vm0, $0xb8;
	[tilespmem:$0x1A000] =	vst v63  }
0x40: {  	s15 =	simm.s32 $0x6800;
	v3 =	vperm.xlane v3, v2  }
0x41: {  	[tilespmem:s15], [sflag:$0x2] =	stream.indirect_vreg.gather [hbm4b:s5+s3], $0x80, v4, vm0, $0xb8;
	[tilespmem:$0x1A000] =	vst v63  }
0x42: {  	s16 =	simm.s32 $0x7000;
	v3 =	vadd.s32 v1, v3  }
0x43: {  	[tilespmem:s16], [sflag:$0x2] =	stream.indirect_vreg.gather [hbm4b:s6+s3], $0x80, v4, vm0, $0xb8;
	[tilespmem:$0x1A000] =	vst v63  }
0x44: {  	s17 =	simm.s32 $0x7800  }
0x45: {  	[tilespmem:s17], [sflag:$0x2] =	stream.indirect_vreg.gather [hbm4b:s7+s3], $0x80, v4, vm0, $0xb8;
	[tilespmem:$0x1A000] =	vst v63  }
0x46: {  	s18 =	simm.s32 $0x8000  }
0x47: {  	[tilespmem:s18], [sflag:$0x2] =	stream.indirect_vreg.gather [hbm4b:s1+s3], $0x80, v3, vm0, $0xb8;
	[tilespmem:$0x1A000] =	vst v63  }
0x48: {  	s19 =	simm.s32 $0x8800  }
0x49: {  	[tilespmem:s19], [sflag:$0x2] =	stream.indirect_vreg.gather [hbm4b:s5+s3], $0x80, v3, vm0, $0xb8;
	[tilespmem:$0x1A000] =	vst v63  }
0x4a: {  	s10 =	simm.s32 $0x9000  }
0x4b: {  	[tilespmem:s10], [sflag:$0x2] =	stream.indirect_vreg.gather [hbm4b:s6+s3], $0x80, v3, vm0, $0xb8;
	[tilespmem:$0x1A000] =	vst v63  }
0x4c: {  	s12 =	simm.s32 $0x9800  }
0x4d: {  	[tilespmem:s12], [sflag:$0x2] =	stream.indirect_vreg.gather [hbm4b:s7+s3], $0x80, v3, vm0, $0xb8;
	[tilespmem:$0x1A000] =	vst v63  }
0x4e: {  	v3 =	vld [tilespmem:$0x100];
	_ =	sdelay $0x4  }
0x4f: {  	v62 =	vshll.u32 v3, $0x3  }
0x50: {  	v3 =	vand.u32 $0x7, v3;
	v4 =	vand.u32 $0xFFFFFFC0, v62  }
0x51: {  	v3 =	vor.u32 v3, v4  }
0x52: {  	v4 =	vperm.xlane v3, v0;
	_ =	sdelay $0x1  }
0x53: {  	v4 =	vadd.s32 v1, v4;
	_ =	sdelay $0x4  }
0x54: {  	[tilespmem:s30], [sflag:$0x3] =	stream.indirect_vreg.gather [hbm4b:s1+s3], $0x80, v4, vm0, $0xb8;
	[tilespmem:$0x1A000] =	vst v63  }
0x55: {  	s14 =	simm.s32 $0xA800;
	v3 =	vperm.xlane v3, v2  }
0x56: {  	[tilespmem:s14], [sflag:$0x3] =	stream.indirect_vreg.gather [hbm4b:s5+s3], $0x80, v4, vm0, $0xb8;
	[tilespmem:$0x1A000] =	vst v63  }
0x57: {  	s15 =	simm.s32 $0xB000;
	v3 =	vadd.s32 v1, v3  }
0x58: {  	[tilespmem:s15], [sflag:$0x3] =	stream.indirect_vreg.gather [hbm4b:s6+s3], $0x80, v4, vm0, $0xb8;
	[tilespmem:$0x1A000] =	vst v63  }
0x59: {  	s16 =	simm.s32 $0xB800  }
0x5a: {  	[tilespmem:s16], [sflag:$0x3] =	stream.indirect_vreg.gather [hbm4b:s7+s3], $0x80, v4, vm0, $0xb8;
	[tilespmem:$0x1A000] =	vst v63  }
0x5b: {  	s17 =	simm.s32 $0xC000  }
0x5c: {  	[tilespmem:s17], [sflag:$0x3] =	stream.indirect_vreg.gather [hbm4b:s1+s3], $0x80, v3, vm0, $0xb8;
	[tilespmem:$0x1A000] =	vst v63  }
0x5d: {  	s18 =	simm.s32 $0xC800  }
0x5e: {  	[tilespmem:s18], [sflag:$0x3] =	stream.indirect_vreg.gather [hbm4b:s5+s3], $0x80, v3, vm0, $0xb8;
	[tilespmem:$0x1A000] =	vst v63  }
0x5f: {  	s19 =	simm.s32 $0xD000  }
0x60: {  	[tilespmem:s19], [sflag:$0x3] =	stream.indirect_vreg.gather [hbm4b:s6+s3], $0x80, v3, vm0, $0xb8;
	[tilespmem:$0x1A000] =	vst v63  }
0x61: {  	s10 =	simm.s32 $0xD800  }
0x62: {  	[tilespmem:s10], [sflag:$0x3] =	stream.indirect_vreg.gather [hbm4b:s7+s3], $0x80, v3, vm0, $0xb8;
	[tilespmem:$0x1A000] =	vst v63  }
0x63: {  	v3 =	vld [tilespmem:$0x180];
	_ =	sdelay $0x4  }
0x64: {  	v63 =	vshll.u32 v3, $0x3  }
0x65: {  	v3 =	vand.u32 $0x7, v3;
	v4 =	vand.u32 $0xFFFFFFC0, v63  }
0x66: {  	v3 =	vor.u32 v3, v4  }
0x67: {  	v4 =	vperm.xlane v3, v0;
	_ =	sdelay $0x1  }
0x68: {  	v4 =	vadd.s32 v1, v4;
	_ =	sdelay $0x4  }
0x69: {  	[tilespmem:s28], [sflag:$0x4] =	stream.indirect_vreg.gather [hbm4b:s1+s3], $0x80, v4, vm0, $0xb8;
	[tilespmem:$0x1A000] =	vst v63  }
0x6a: {  	s12 =	simm.s32 $0xE800;
	v3 =	vperm.xlane v3, v2  }
0x6b: {  	[tilespmem:s12], [sflag:$0x4] =	stream.indirect_vreg.gather [hbm4b:s5+s3], $0x80, v4, vm0, $0xb8;
	[tilespmem:$0x1A000] =	vst v63  }
0x6c: {  	s14 =	simm.s32 $0xF000;
	v3 =	vadd.s32 v1, v3  }
0x6d: {  	[tilespmem:s14], [sflag:$0x4] =	stream.indirect_vreg.gather [hbm4b:s6+s3], $0x80, v4, vm0, $0xb8;
	[tilespmem:$0x1A000] =	vst v63  }
0x6e: {  	s15 =	simm.s32 $0xF800  }
0x6f: {  	[tilespmem:s15], [sflag:$0x4] =	stream.indirect_vreg.gather [hbm4b:s7+s3], $0x80, v4, vm0, $0xb8;
	[tilespmem:$0x1A000] =	vst v63  }
0x70: {  	s16 =	simm.s32 $0x10000  }
0x71: {  	[tilespmem:s16], [sflag:$0x4] =	stream.indirect_vreg.gather [hbm4b:s1+s3], $0x80, v3, vm0, $0xb8;
	[tilespmem:$0x1A000] =	vst v63  }
0x72: {  	s17 =	simm.s32 $0x10800  }
0x73: {  	[tilespmem:s17], [sflag:$0x4] =	stream.indirect_vreg.gather [hbm4b:s5+s3], $0x80, v3, vm0, $0xb8;
	[tilespmem:$0x1A000] =	vst v63  }
.Ltmp2:
0x74: {  	_ = 	snop;
	(pc) =	sbr.rel .LBB2_2-.Ltmp2, $4  }
0x75: {  	s18 =	simm.s32 $0x11000  }
0x76: {  	[tilespmem:s18], [sflag:$0x4] =	stream.indirect_vreg.gather [hbm4b:s6+s3], $0x80, v3, vm0, $0xb8;
	[tilespmem:$0x1A000] =	vst v63  }
0x77: {  	s19 =	simm.s32 $0x11800;
	s10 =	simm.s32 $0x380;
	s12 =	simm.s32 $0x0  }
0x78: {  	[tilespmem:s19], [sflag:$0x4] =	stream.indirect_vreg.gather [hbm4b:s7+s3], $0x80, v3, vm0, $0xb8;
	[tilespmem:$0x1A000] =	vst v63  }
.LBB2_3:
0x79: {  	_ =	swait.ge [sflag:s31], $0x4000  }
0x7a: {  	[sflag:s31] =	ssyncset.done $0x0  }
0x7b: {  	[sflag:s31] =	ssyncadd.s32 $0xFFFFC000  }
.LBB2_5:
0x7c: {  	_ =	swait.ge [sflag:s0], $0x800  }
0x7d: {  	[sflag:s0] =	ssyncset.done $0x0  }
0x7e: {  	[sflag:s0] =	ssyncadd.s32 $0xFFFFF800  }
.LBB2_6:
0x7f: {  	[spmem:s9] =	stream.linear.scatter [tilespmem:s21], [sflag:$0x6], $0x4000, $0x38;
	[tilespmem:$0x1A000] =	vst v63  }
0x80: {  	_ =	swait.ge [sflag:s22], $0x4000  }
0x81: {  	p0 =	seq.s32 s12, $0x1E000;
	s19 =	sadd.s32 $0x800, s4;
	[sflag:s22] =	ssyncset.done $0x0  }
0x82: {  	s17 =	sor.u32 $0x1C08, s14;
	s18 =	sshrl.u32 s9, $0x3;
	[sflag:s22] =	ssyncadd.s32 $0xFFFFC000  }
0x83: {  	[hbm:s19], [sflag:s17] =	dma.local [spmem:s18], $0x800  }
0x84: {  	v3 =	vld @!p0 [tilespmem:s10+$0xFFFFFF00];
	_ =	sdelay $0x4  }
0x85: {  	v4 =	vshll.u32 @!p0 v3, $0x3  }
0x86: {  	v5 =	vlaneseq.u32 @!p0;
	v3 =	vand.u32 @!p0 $0x7, v3;
	v4 =	vand.u32 @!p0 $0xFFFFFFC0, v4  }
0x87: {  	v6 =	vshrl.u32 @!p0 v5, $0x3;
	v3 =	vor.u32 @!p0 v3, v4;
	v4 =	vand.u32 @!p0 $0x7, v5  }
0x88: {  	v6 =	vmul.u32 @!p0 $0x8, v6;
	v7 =	vperm.xlane @!p0 v3, v4;
	_ =	sdelay $0x1  }
0x89: {  	v7 =	vadd.s32 @!p0 v6, v7;
	_ =	sdelay $0x3  }
0x8a: {  	vm1 =	vmmov @!p0 $0xffff;
	s14 =	simm.s32 @!p0 $0x0;
	s19 =	simm.s32 @!p0 $0x6000  }
0x8b: {  	v5 =	vor.u32 @!p0 $0x8, v5;
	[tilespmem:s19], [sflag:$0x2] =	stream.indirect_vreg.gather @!p0 [hbm4b:s1+s14], $0x80, v7, vm1, $0xb8;
	[tilespmem:$0x1A000] =	vst v63  }
0x8c: {  	v3 =	vperm.xlane @!p0 v3, v5;
	s19 =	simm.s32 @!p0 $0x6800  }
0x8d: {  	[tilespmem:s19], [sflag:$0x2] =	stream.indirect_vreg.gather @!p0 [hbm4b:s5+s14], $0x80, v7, vm1, $0xb8;
	[tilespmem:$0x1A000] =	vst v63  }
0x8e: {  	v3 =	vadd.s32 @!p0 v6, v3;
	s19 =	simm.s32 @!p0 $0x7000  }
0x8f: {  	[tilespmem:s19], [sflag:$0x2] =	stream.indirect_vreg.gather @!p0 [hbm4b:s6+s14], $0x80, v7, vm1, $0xb8;
	[tilespmem:$0x1A000] =	vst v63  }
0x90: {  	s19 =	simm.s32 @!p0 $0x7800  }
0x91: {  	[tilespmem:s19], [sflag:$0x2] =	stream.indirect_vreg.gather @!p0 [hbm4b:s7+s14], $0x80, v7, vm1, $0xb8;
	[tilespmem:$0x1A000] =	vst v63  }
0x92: {  	s19 =	simm.s32 @!p0 $0x8000  }
0x93: {  	[tilespmem:s19], [sflag:$0x2] =	stream.indirect_vreg.gather @!p0 [hbm4b:s1+s14], $0x80, v3, vm1, $0xb8;
	[tilespmem:$0x1A000] =	vst v63  }
0x94: {  	s19 =	simm.s32 @!p0 $0x8800  }
0x95: {  	[tilespmem:s19], [sflag:$0x2] =	stream.indirect_vreg.gather @!p0 [hbm4b:s5+s14], $0x80, v3, vm1, $0xb8;
	[tilespmem:$0x1A000] =	vst v63  }
0x96: {  	s19 =	simm.s32 @!p0 $0x9000  }
0x97: {  	[tilespmem:s19], [sflag:$0x2] =	stream.indirect_vreg.gather @!p0 [hbm4b:s6+s14], $0x80, v3, vm1, $0xb8;
	[tilespmem:$0x1A000] =	vst v63  }
0x98: {  	s19 =	simm.s32 @!p0 $0x9800  }
0x99: {  	[tilespmem:s19], [sflag:$0x2] =	stream.indirect_vreg.gather @!p0 [hbm4b:s7+s14], $0x80, v3, vm1, $0xb8;
	[tilespmem:$0x1A000] =	vst v63  }
0x9a: {  	_ =	swait.ge [sflag:s23], $0x4000  }
0x9b: {  	[sflag:s23] =	ssyncset.done $0x0  }
0x9c: {  	[sflag:s23] =	ssyncadd.s32 $0xFFFFC000  }
0x9d: {  	_ =	swait.ge [sflag:s24], $0x800  }
0x9e: {  	[sflag:s24] =	ssyncset.done $0x0  }
0x9f: {  	[sflag:s24] =	ssyncadd.s32 $0xFFFFF800  }
0xa0: {  	[spmem:s8] =	stream.linear.scatter [tilespmem:s30], [sflag:$0x5], $0x4000, $0x38;
	[tilespmem:$0x1A000] =	vst v63  }
0xa1: {  	_ =	swait.ge [sflag:s29], $0x4000  }
0xa2: {  	[sflag:s29] =	ssyncset.done $0x0  }
0xa3: {  	s19 =	sadd.s32 $0x1000, s4;
	[sflag:s29] =	ssyncadd.s32 $0xFFFFC000  }
0xa4: {  	[hbm:s19], [sflag:s15] =	dma.local [spmem:s16], $0x800  }
0xa5: {  	v3 =	vld @!p0 [tilespmem:s10+$0xFFFFFF80];
	_ =	sdelay $0x4  }
0xa6: {  	v7 =	vshll.u32 @!p0 v3, $0x3  }
0xa7: {  	v3 =	vand.u32 @!p0 $0x7, v3;
	v7 =	vand.u32 @!p0 $0xFFFFFFC0, v7  }
0xa8: {  	v3 =	vor.u32 @!p0 v3, v7  }
0xa9: {  	v7 =	vperm.xlane @!p0 v3, v4;
	_ =	sdelay $0x1  }
0xaa: {  	v7 =	vadd.s32 @!p0 v6, v7;
	_ =	sdelay $0x3  }
0xab: {  	s15 =	simm.s32 @!p0 $0xA000  }
0xac: {  	[tilespmem:s15], [sflag:$0x3] =	stream.indirect_vreg.gather @!p0 [hbm4b:s1+s14], $0x80, v7, vm1, $0xb8;
	[tilespmem:$0x1A000] =	vst v63  }
0xad: {  	v3 =	vperm.xlane @!p0 v3, v5;
	s15 =	simm.s32 @!p0 $0xA800  }
0xae: {  	[tilespmem:s15], [sflag:$0x3] =	stream.indirect_vreg.gather @!p0 [hbm4b:s5+s14], $0x80, v7, vm1, $0xb8;
	[tilespmem:$0x1A000] =	vst v63  }
0xaf: {  	v3 =	vadd.s32 @!p0 v6, v3;
	s15 =	simm.s32 @!p0 $0xB000  }
0xb0: {  	[tilespmem:s15], [sflag:$0x3] =	stream.indirect_vreg.gather @!p0 [hbm4b:s6+s14], $0x80, v7, vm1, $0xb8;
	[tilespmem:$0x1A000] =	vst v63  }
0xb1: {  	s15 =	simm.s32 @!p0 $0xB800  }
0xb2: {  	[tilespmem:s15], [sflag:$0x3] =	stream.indirect_vreg.gather @!p0 [hbm4b:s7+s14], $0x80, v7, vm1, $0xb8;
	[tilespmem:$0x1A000] =	vst v63  }
0xb3: {  	s15 =	simm.s32 @!p0 $0xC000  }
0xb4: {  	[tilespmem:s15], [sflag:$0x3] =	stream.indirect_vreg.gather @!p0 [hbm4b:s1+s14], $0x80, v3, vm1, $0xb8;
	[tilespmem:$0x1A000] =	vst v63  }
0xb5: {  	s15 =	simm.s32 @!p0 $0xC800  }
0xb6: {  	[tilespmem:s15], [sflag:$0x3] =	stream.indirect_vreg.gather @!p0 [hbm4b:s5+s14], $0x80, v3, vm1, $0xb8;
	[tilespmem:$0x1A000] =	vst v63  }
0xb7: {  	s15 =	simm.s32 @!p0 $0xD000  }
0xb8: {  	[tilespmem:s15], [sflag:$0x3] =	stream.indirect_vreg.gather @!p0 [hbm4b:s6+s14], $0x80, v3, vm1, $0xb8;
	[tilespmem:$0x1A000] =	vst v63  }
0xb9: {  	s15 =	simm.s32 @!p0 $0xD800  }
0xba: {  	[tilespmem:s15], [sflag:$0x3] =	stream.indirect_vreg.gather @!p0 [hbm4b:s7+s14], $0x80, v3, vm1, $0xb8;
	[tilespmem:$0x1A000] =	vst v63  }
0xbb: {  	_ =	swait.ge [sflag:s25], $0x4000  }
0xbc: {  	[sflag:s25] =	ssyncset.done $0x0  }
0xbd: {  	[sflag:s25] =	ssyncadd.s32 $0xFFFFC000  }
0xbe: {  	_ =	swait.ge [sflag:s0], $0x800  }
0xbf: {  	[sflag:s0] =	ssyncset.done $0x0  }
0xc0: {  	[sflag:s0] =	ssyncadd.s32 $0xFFFFF800  }
0xc1: {  	[spmem:s9] =	stream.linear.scatter [tilespmem:s28], [sflag:$0x6], $0x4000, $0x38;
	[tilespmem:$0x1A000] =	vst v63  }
0xc2: {  	_ =	swait.ge [sflag:s22], $0x4000  }
0xc3: {  	[sflag:s22] =	ssyncset.done $0x0  }
0xc4: {  	s19 =	sadd.s32 $0x1800, s4;
	[sflag:s22] =	ssyncadd.s32 $0xFFFFC000  }
0xc5: {  	[hbm:s19], [sflag:s17] =	dma.local [spmem:s18], $0x800  }
0xc6: {  	v3 =	vld @!p0 [tilespmem:s10+$0x0];
	_ =	sdelay $0x4  }
0xc7: {  	v7 =	vshll.u32 @!p0 v3, $0x3  }
0xc8: {  	v3 =	vand.u32 @!p0 $0x7, v3;
	v7 =	vand.u32 @!p0 $0xFFFFFFC0, v7  }
0xc9: {  	v3 =	vor.u32 @!p0 v3, v7  }
0xca: {  	v4 =	vperm.xlane @!p0 v3, v4;
	_ =	sdelay $0x1  }
0xcb: {  	v4 =	vadd.s32 @!p0 v6, v4;
	_ =	sdelay $0x3  }
0xcc: {  	s4 =	simm.s32 @!p0 $0xE000  }
0xcd: {  	[tilespmem:s4], [sflag:$0x4] =	stream.indirect_vreg.gather @!p0 [hbm4b:s1+s14], $0x80, v4, vm1, $0xb8;
	[tilespmem:$0x1A000] =	vst v63  }
0xce: {  	v3 =	vperm.xlane @!p0 v3, v5;
	s4 =	simm.s32 @!p0 $0xE800  }
0xcf: {  	[tilespmem:s4], [sflag:$0x4] =	stream.indirect_vreg.gather @!p0 [hbm4b:s5+s14], $0x80, v4, vm1, $0xb8;
	[tilespmem:$0x1A000] =	vst v63  }
0xd0: {  	v3 =	vadd.s32 @!p0 v6, v3;
	s4 =	simm.s32 @!p0 $0xF000  }
0xd1: {  	[tilespmem:s4], [sflag:$0x4] =	stream.indirect_vreg.gather @!p0 [hbm4b:s6+s14], $0x80, v4, vm1, $0xb8;
	[tilespmem:$0x1A000] =	vst v63  }
0xd2: {  	s12 =	sadd.s32 @!p0 $0x2000, s12;
	s4 =	simm.s32 @!p0 $0xF800  }
0xd3: {  	[tilespmem:s4], [sflag:$0x4] =	stream.indirect_vreg.gather @!p0 [hbm4b:s7+s14], $0x80, v4, vm1, $0xb8;
	[tilespmem:$0x1A000] =	vst v63  }
0xd4: {  	p1 =	sne.s32 @!p0 s12, $0x20000;
	s4 =	simm.s32 @!p0 $0x10000  }
0xd5: {  	[tilespmem:s4], [sflag:$0x4] =	stream.indirect_vreg.gather @!p0 [hbm4b:s1+s14], $0x80, v3, vm1, $0xb8;
	[tilespmem:$0x1A000] =	vst v63  }
0xd6: {  	p1 =	por p0, !p1;
	s4 =	simm.s32 @!p0 $0x10800  }
0xd7: {  	[tilespmem:s4], [sflag:$0x4] =	stream.indirect_vreg.gather @!p0 [hbm4b:s5+s14], $0x80, v3, vm1, $0xb8;
	[tilespmem:$0x1A000] =	vst v63  }
.Ltmp3:
0xd8: {  	_ = 	snop;
	(pc) =	sbr.rel @p1 .LBB2_7-.Ltmp3, $4  }
0xd9: {  	s4 =	simm.s32 @!p0 $0x11000  }
0xda: {  	[tilespmem:s4], [sflag:$0x4] =	stream.indirect_vreg.gather @!p0 [hbm4b:s6+s14], $0x80, v3, vm1, $0xb8;
	[tilespmem:$0x1A000] =	vst v63  }
0xdb: {  	s10 =	sadd.s32 @!p0 $0x200, s10;
	s4 =	simm.s32 @!p0 $0x11800  }
0xdc: {  	[tilespmem:s4], [sflag:$0x4] =	stream.indirect_vreg.gather @!p0 [hbm4b:s7+s14], $0x80, v3, vm1, $0xb8;
	[tilespmem:$0x1A000] =	vst v63  }
.LBB2_2:
0xdd: {  	_ =	swait.ge [sflag:s26], $0x4000  }
0xde: {  	p0 =	seq.s32 s12, $0x0;
	[sflag:s26] =	ssyncset.done $0x0  }
0xdf: {  	s4 =	simm.s32 @!p0 $0x7;
	[sflag:s26] =	ssyncadd.s32 $0xFFFFC000  }
0xe0: {  	_ =	swait.ge @!p0 [sflag:s4], $0x800  }
0xe1: {  	[sflag:s4] =	ssyncset.done @!p0 $0x0  }
0xe2: {  	p1 =	sne.s32 s12, $0x1E000;
	[sflag:s4] =	ssyncadd.s32 @!p0 $0xFFFFF800  }
0xe3: {  	[spmem:s8] =	stream.linear.scatter [tilespmem:s13], [sflag:$0x5], $0x4000, $0x38;
	[tilespmem:$0x1A000] =	vst v63  }
.Ltmp4:
0xe4: {  	_ = 	snop;
	(pc) =	sbr.rel @!p1 .LBB2_3-.Ltmp4, $4  }
0xe5: {  	_ =	swait.ge [sflag:s29], $0x4000  }
0xe6: {  	s14 =	sshll.u32 s2, $0x6;
	s16 =	sshrl.u32 s8, $0x3;
	[sflag:s29] =	ssyncset.done $0x0  }
0xe7: {  	s15 =	sor.u32 $0x1C07, s14;
	s4 =	sadd.s32 s12, s11;
	[sflag:s29] =	ssyncadd.s32 $0xFFFFC000  }
0xe8: {  	[hbm:s4], [sflag:s15] =	dma.local [spmem:s16], $0x800  }
0xe9: {  	v3 =	vld [tilespmem:s10+$0xFFFFFE80];
	_ =	sdelay $0x4  }
0xea: {  	v4 =	vshll.u32 v3, $0x3  }
0xeb: {  	v3 =	vand.u32 $0x7, v3;
	v4 =	vand.u32 $0xFFFFFFC0, v4  }
0xec: {  	v3 =	vor.u32 v3, v4  }
0xed: {  	v4 =	vperm.xlane v3, v0;
	_ =	sdelay $0x1  }
0xee: {  	v4 =	vadd.s32 v1, v4;
	_ =	sdelay $0x4  }
0xef: {  	[tilespmem:s13], [sflag:$0x1] =	stream.indirect_vreg.gather [hbm4b:s1+s3], $0x80, v4, vm0, $0xb8;
	[tilespmem:$0x1A000] =	vst v63  }
0xf0: {  	s17 =	simm.s32 $0x2800;
	v3 =	vperm.xlane v3, v2  }
0xf1: {  	[tilespmem:s17], [sflag:$0x1] =	stream.indirect_vreg.gather [hbm4b:s5+s3], $0x80, v4, vm0, $0xb8;
	[tilespmem:$0x1A000] =	vst v63  }
0xf2: {  	s19 =	simm.s32 $0x3000;
	v3 =	vadd.s32 v1, v3  }
0xf3: {  	[tilespmem:s19], [sflag:$0x1] =	stream.indirect_vreg.gather [hbm4b:s6+s3], $0x80, v4, vm0, $0xb8;
	[tilespmem:$0x1A000] =	vst v63  }
0xf4: {  	s18 =	simm.s32 $0x3800  }
0xf5: {  	[tilespmem:s18], [sflag:$0x1] =	stream.indirect_vreg.gather [hbm4b:s7+s3], $0x80, v4, vm0, $0xb8;
	[tilespmem:$0x1A000] =	vst v63  }
0xf6: {  	s19 =	simm.s32 $0x4000  }
0xf7: {  	[tilespmem:s19], [sflag:$0x1] =	stream.indirect_vreg.gather [hbm4b:s1+s3], $0x80, v3, vm0, $0xb8;
	[tilespmem:$0x1A000] =	vst v63  }
0xf8: {  	s18 =	simm.s32 $0x4800  }
0xf9: {  	[tilespmem:s18], [sflag:$0x1] =	stream.indirect_vreg.gather [hbm4b:s5+s3], $0x80, v3, vm0, $0xb8;
	[tilespmem:$0x1A000] =	vst v63  }
0xfa: {  	s19 =	simm.s32 $0x5000  }
0xfb: {  	[tilespmem:s19], [sflag:$0x1] =	stream.indirect_vreg.gather [hbm4b:s6+s3], $0x80, v3, vm0, $0xb8;
	[tilespmem:$0x1A000] =	vst v63  }
0xfc: {  	_ = 	snop  }
0xfd: {  	[tilespmem:s20], [sflag:$0x1] =	stream.indirect_vreg.gather [hbm4b:s7+s3], $0x80, v3, vm0, $0xb8;
	[tilespmem:$0x1A000] =	vst v63  }
.Ltmp5:
0xfe: {  	_ = 	snop;
	(pc) =	sbr.rel @!p0 .LBB2_5-.Ltmp5, $4  }
.Ltmp6:
0xff: {  	_ = 	snop;
	(pc) =	sbr.rel @p0 .LBB2_6-.Ltmp6, $4  }
0x100: {  	_ =	swait.ge [sflag:s31], $0x4000  }
0x101: {  	[sflag:s31] =	ssyncset.done $0x0  }
0x102: {  	[sflag:s31] =	ssyncadd.s32 $0xFFFFC000  }
0x103: {  	_ = 	snop  }
.LBB2_8:
0x104: {  	_ =	sfence.sel $0x180000  }
0x105: {  	[bflag:$0x0] =	sbarrier.arrive $0xFFFF  }
0x106: {  	_ =	strace $0x90000047  }
0x107: {  	[bflag:$0x2] =	sbarrier.arrive $0xFFFF  }
0x108: {  	p0 =	sne.s32 s2, $0x0;
	s0 =	rddreg [dreg:$0x4]  }
0x109: {  	s0 =	sadd.s32 @!p0 $0x100000, s0  }
0x10a: {  	[sflag:s0] =	ssyncadd.tile.s32 @!p0 $0x1;
	_ =	shalt  }
.Lfunc_end2:
_tile_overlayer_lowered:
.L_overlay_start_2:
0x10b: {  	(tag) =	ssettag $0x2  }
0x10c: {  	s0 =	rddreg [dreg:$0x0];
	s2 =	stileid.u32  }
0x10d: {  	s1 =	rddreg [dreg:$0x1];
	p0 =	sne.s32 s2, $0x0  }
0x10e: {  	s3 =	rddreg [dreg:$0x2];
	[bflag:$0x3] =	sbarrier.arrive $0xFFFF;
	s2 =	simm.s32 @!p0 $0x1C09  }
0x10f: {  	[timem:s3], [sflag:s2] =	dma.local @!p0 [hbm:s0], s1  }
0x110: {  	s0 =	simm.s32 @!p0 $0x9  }
0x111: {  	_ =	swait.ge @!p0 [sflag:s0], s1  }
0x112: {  	s1 =	ssub.s32 @!p0 $0x0, s1;
	[sflag:s0] =	ssyncset.done @!p0 $0x0  }
0x113: {  	[sflag:s0] =	ssyncadd.s32 @!p0 s1  }
0x114: {  	[bflag:$0x3] =	sbarrier.arrive $0xFFFF  }
0x115: {  	_ =	shalt  }

</sc_bundles>
